<compile_context>
chip_gen: v7x
topology: tpu7x:2x2x1
jax: 0.10.2.dev20260603
libtpu: 0.0.44.dev20260713+nightly
codegen_flags: <defaults>
</compile_context>

<pallas_src>
import functools

import jax
import jax.numpy as jnp
from jax import lax
from jax.experimental import pallas as pl
from jax.experimental.pallas import tpu as pltpu
from jax.experimental.pallas import tpu_sc as plsc

NC = 2
NS = 16
NW = NC * NS
BATCH = 128
LANES = 16


def _zero_rows(zero_v, shared, base, rows):
    nfull, rem = divmod(rows, BATCH)
    for t in range(nfull):
        pltpu.sync_copy(zero_v, shared.at[pl.ds(base + t * BATCH, BATCH)])
    if rem:
        pltpu.sync_copy(zero_v.at[pl.ds(0, rem)],
                        shared.at[pl.ds(base + nfull * BATCH, rem)])


def _deg_body(dst_hbm, deg_out, dst_v, deg_l, *, nb, n_pad):
    c = lax.axis_index("c")
    s = lax.axis_index("s")
    w = c * NS + s

    def zero(i, carry):
        deg_l[pl.ds(i * LANES, LANES)] = jnp.zeros((LANES,), jnp.float32)
        return carry
    lax.fori_loop(0, n_pad // LANES, zero, 0)

    pltpu.sync_copy(dst_hbm.at[w], dst_v)

    ones16 = jnp.ones((LANES,), jnp.float32)

    def scat(j, carry):
        for q in range(BATCH // LANES):
            idx = dst_v[j, pl.ds(q * LANES, LANES)]
            plsc.addupdate_scatter(deg_l, [idx], ones16)
        return carry
    lax.fori_loop(0, nb, scat, 0)

    pltpu.sync_copy(deg_l, deg_out.at[w])


def _agg_body(h_hbm, src_hbm, dst_hbm, part_out,
              dst_v, si0, si1, buf0, buf1, acc_sh,
              fi0, fi1, sg0, sg1, ss0, ss1, *, nb, rps):
    c = lax.axis_index("c")
    s = lax.axis_index("s")
    w = c * NS + s
    base = s * rps

    def fz(i, carry):
        for q in range(8):
            buf0[i, pl.ds(q * LANES, LANES)] = jnp.zeros((LANES,), jnp.float32)
        return carry
    lax.fori_loop(0, BATCH, fz, 0)

    _zero_rows(buf0, acc_sh, base, rps)
    pltpu.sync_copy(dst_hbm.at[w], dst_v)
    plsc.subcore_barrier()

    sidx = (si0, si1)
    bufs = (buf0, buf1)
    fis = (fi0, fi1)
    sgs = (sg0, sg1)
    sss = (ss0, ss1)

    def i_start(j, bi):
        pltpu.async_copy(src_hbm.at[w, pl.ds(j, 1)], sidx[bi], fis[bi])

    def i_wait(bi):
        pltpu.make_async_copy(src_hbm.at[w, pl.ds(0, 1)], sidx[bi], fis[bi]).wait()

    def g_start(bi):
        pltpu.async_copy(h_hbm.at[sidx[bi].at[0]], bufs[bi], sgs[bi])

    def g_wait(bi):
        pltpu.make_async_copy(h_hbm.at[sidx[bi].at[0]], bufs[bi], sgs[bi]).wait()

    def s_start(j, bi):
        pltpu.async_copy(bufs[bi], acc_sh.at[dst_v.at[j]], sss[bi], add=True)

    def s_wait(bi):
        pltpu.make_async_copy(bufs[bi], acc_sh.at[dst_v.at[0]], sss[bi]).wait()

    i_start(0, 0)
    i_start(1, 1)
    for j in (0, 1):
        i_wait(j)
        g_start(j)
        g_wait(j)
        i_start(j + 2, j)
        s_start(j, j)

    def pair(k, carry):
        j0 = 2 * k
        for bi in (0, 1):
            j = j0 + bi
            i_wait(bi)
            s_wait(bi)
            g_start(bi)
            g_wait(bi)
            i_start(j + 2, bi)
            s_start(j, bi)
        return carry
    npair_hi = (nb - 3) // 2
    lax.fori_loop(1, npair_hi, pair, 0)

    for j in range(2 * npair_hi, nb):
        bi = j % 2
        i_wait(bi)
        s_wait(bi)
        g_start(bi)
        g_wait(bi)
        if j + 2 < nb:
            i_start(j + 2, bi)
        s_start(j, bi)
    s_wait((nb - 2) % 2)
    s_wait((nb - 1) % 2)

    plsc.subcore_barrier()
    pltpu.sync_copy(acc_sh.at[pl.ds(base, rps)], part_out.at[c, pl.ds(base, rps)])


def _sc_mesh():
    return plsc.VectorSubcoreMesh(core_axis_name="c", subcore_axis_name="s")


def _deg_call(n_pad, nb):
    return pl.kernel(
        functools.partial(_deg_body, nb=nb, n_pad=n_pad),
        out_type=jax.ShapeDtypeStruct((NW, n_pad), jnp.float32),
        mesh=_sc_mesh(),
        compiler_params=pltpu.CompilerParams(needs_layout_passes=False),
        scratch_types=[
            pltpu.VMEM((nb, BATCH), jnp.int32),
            pltpu.VMEM((n_pad,), jnp.float32),
        ],
    )


def _agg_call(n_pad, nb, d_out):
    return pl.kernel(
        functools.partial(_agg_body, nb=nb, rps=n_pad // NS),
        out_type=jax.ShapeDtypeStruct((NC, n_pad, d_out), jnp.float32),
        mesh=_sc_mesh(),
        scratch_types=[
            pltpu.VMEM((nb, BATCH), jnp.int32),
            pltpu.VMEM((1, BATCH), jnp.int32),
            pltpu.VMEM((1, BATCH), jnp.int32),
            pltpu.VMEM((BATCH, d_out), jnp.float32),
            pltpu.VMEM((BATCH, d_out), jnp.float32),
            pltpu.VMEM_SHARED((n_pad, d_out), jnp.float32),
            pltpu.SemaphoreType.DMA,
            pltpu.SemaphoreType.DMA,
            pltpu.SemaphoreType.DMA,
            pltpu.SemaphoreType.DMA,
            pltpu.SemaphoreType.DMA,
            pltpu.SemaphoreType.DMA,
        ],
    )


def _mm_body(x_ref, w_ref, xw_ref):
    xw_ref[...] = jnp.dot(
        x_ref[...], w_ref[...], preferred_element_type=jnp.float32)


def _pre_body(xw_ref, degp_ref, h_ref, isd_ref, *, n):
    deg = jnp.sum(degp_ref[...], axis=0)
    isd = lax.rsqrt(jnp.maximum(deg, 1.0))
    isd_ref[...] = isd
    h_ref[...] = xw_ref[...] * isd[:n, None]


def _post_body(parts_ref, isd_ref, b_ref, y_ref, *, n):
    acc = parts_ref[0, :n, :] + parts_ref[1, :n, :]
    y_ref[...] = acc * isd_ref[...][:n, None] + b_ref[...][None, :]


def kernel(x, edge_index, W, b):
    n, d_in = x.shape
    d_out = W.shape[1]
    e = edge_index.shape[1]
    assert n % NS == 0 and d_in % LANES == 0

    nb = -(-e // (NW * BATCH))
    assert nb >= 3
    e_pad = NW * nb * BATCH
    n_pad = -(-(n + NS) // (NS * 8)) * (NS * 8)
    rps = n_pad // NS

    src = edge_index[0]
    dst = edge_index[1]
    pad = e_pad - e
    if pad:
        extra = jnp.arange(pad, dtype=jnp.int32)
        src = jnp.concatenate([src, extra % n])
        dst = jnp.concatenate([dst, n + (extra % (n_pad - n))])
    src3 = src.reshape(NW, nb, BATCH)
    dst3 = dst.reshape(NW, nb, BATCH)

    xw = pl.pallas_call(
        _mm_body,
        out_shape=jax.ShapeDtypeStruct((n, d_out), jnp.float32),
    )(x, W)
    deg_parts = _deg_call(n_pad, nb)(dst3)

    h, isd = pl.pallas_call(
        functools.partial(_pre_body, n=n),
        out_shape=[
            jax.ShapeDtypeStruct((n, d_out), jnp.float32),
            jax.ShapeDtypeStruct((n_pad,), jnp.float32),
        ],
    )(xw, deg_parts)

    parts = _agg_call(n_pad, nb, d_out)(h, src3, dst3)

    y = pl.pallas_call(
        functools.partial(_post_body, n=n),
        out_shape=jax.ShapeDtypeStruct((n, d_out), jnp.float32),
    )(parts, isd, b)
    return y

# --- scband reference (transcript-rebuilt; emitter-appended) ---
"""Pipeline reference for scband-simple-gnn-41377714930067 (READ-ONLY COPY).

The authoritative reference and input builder live on the scoring server;
editing this copy changes nothing except your own understanding.
"""

import jax, jax.numpy as jnp
import numpy as np

N = 10000
E = 320000
D_IN = 128
D_OUT = 128


def setup_inputs(seed: int = 0) -> dict:
    key = jax.random.key(seed)
    k1, k2, k3, k4 = jax.random.split(key, 4)
    x = jax.random.normal(k1, (N, D_IN), dtype=jnp.float32)
    edge_index = jax.random.randint(k2, (2, E), 0, N, dtype=jnp.int32)
    # GCN layer parameters (weight + bias), sized per init_kwargs
    W = jax.random.normal(k3, (D_IN, D_OUT), dtype=jnp.float32) * (1.0 / np.sqrt(D_IN))
    b = jax.random.normal(k4, (D_OUT,), dtype=jnp.float32) * 0.01
    return {"x": x, "edge_index": edge_index, "W": W, "b": b}


def reference(x, edge_index, W, b):
    # SimpleGNN.forward -> GCNLayer(x): y_hat = A_hat @ x @ W + b
    # A_hat is the symmetrically-normalized adjacency, realized here in
    # sparse edge-list form (gather + scatter-add message passing).
    src = edge_index[0]
    dst = edge_index[1]
    ones = jnp.ones((src.shape[0],), dtype=x.dtype)
    deg = jax.ops.segment_sum(ones, dst, num_segments=N)
    deg = jnp.maximum(deg, 1.0)
    inv_sqrt_deg = jax.lax.rsqrt(deg)
    norm = inv_sqrt_deg[src] * inv_sqrt_deg[dst]
    msgs = x[src] * norm[:, None]          # gather (memory-bound)
    agg = jax.ops.segment_sum(msgs, dst, num_segments=N)  # scatter-add
    y_hat = agg @ W + b
    return y_hat

if __name__ == "__main__":
    import jax
    _d = setup_inputs()
    print(jax.jit(kernel)(*tuple(_d.values())))

</pallas_src>

<mosaic_0001>
#map = affine_map<(d0, d1) -> (0, 0, 0)>
#map1 = affine_map<(d0, d1) -> (0, 0)>
module attributes {stable_mosaic.version = 14 : i64} {
  func.func @_deg_body(%arg0: i32, %arg1: i32, %arg2: memref<32x79x128xi32, #tpu.memory_space<hbm>>, %arg3: memref<32x10112xf32, #tpu.memory_space<hbm>>, %arg4: memref<79x128xi32, #tpu.memory_space<vmem>>, %arg5: memref<10112xf32, #tpu.memory_space<vmem>>) attributes {dimension_semantics = [#tpu.dimension_semantics<core_parallel>, #tpu.dimension_semantics<subcore_parallel>], iteration_bounds = array<i64: 2, 16>, scalar_prefetch = 0 : i64, scratch_operands = 2 : i64, tpu.core_type = #tpu.core_type<sc_vector_subcore>, window_params = [{transform_indices = #map}, {transform_indices = #map1}]} {
    %mul3A = arith.constant 16 : i32
    %mul3A_0 = arith.muli %arg0, %mul3A : i32
    %add3A = arith.addi %mul3A_0, %arg1 : i32
    %scan3A = arith.constant 0 : i32
    %scan3A_1 = arith.constant 0 : i32
    %scan3A_2 = arith.constant 632 : i32
    %scan3A_3 = arith.addi %scan3A_1, %scan3A_2 : i32
    %scan3A_4 = arith.constant 1 : i32
    scf.for %scan3A_13 = %scan3A_1 to %scan3A_3 step %scan3A_4  : i32 {
      %broadcast_in_dim3A_14 = arith.constant 0.000000e+00 : f32
      %broadcast_in_dim3A_15 = vector.broadcast %broadcast_in_dim3A_14 : f32 to vector<16xf32>
      %mul3A_16 = arith.constant 16 : i32
      %mul3A_17 = arith.muli %scan3A_13, %mul3A_16 : i32
      %swap3A = arith.index_cast %mul3A_17 : i32 to index
      %swap3A_18 = tpu.vector_load %arg5[%swap3A] {strides = array<i32>} : memref<10112xf32, #tpu.memory_space<vmem>>, vector<16xf32>,
      tpu.vector_store %arg5[%swap3A], %broadcast_in_dim3A_15 {strides = array<i32>} : memref<10112xf32, #tpu.memory_space<vmem>>, vector<16xf32>,
    }
    %scan3A_5 = arith.constant 632 : i32
    "tpu.region"() ({
      %run_scoped3A = tpu.sem_alloc : memref<!tpu.dma_semaphore, #tpu.memory_space<semaphore_mem>>
      %dma_start3A = arith.constant 0 : i32
      %dma_start3A_13 = arith.constant 0 : i32
      %dma_start3A_14 = tpu.memref_slice %arg2[%add3A, %dma_start3A, %dma_start3A_13] : memref<32x79x128xi32, #tpu.memory_space<hbm>> -> memref<1x79x128xi32, #tpu.memory_space<hbm>>
      %dma_start3A_15 = tpu.memref_squeeze %dma_start3A_14 : memref<1x79x128xi32, #tpu.memory_space<hbm>> -> memref<79x128xi32, #tpu.memory_space<hbm>>
      %dma_start3A_16 = arith.constant 0 : i32
      %dma_start3A_17 = arith.constant 0 : i32
      %dma_start3A_18 = tpu.memref_slice %arg2[%add3A, %dma_start3A_16, %dma_start3A_17] : memref<32x79x128xi32, #tpu.memory_space<hbm>> -> memref<1x79x128xi32, #tpu.memory_space<hbm>>
      %dma_start3A_19 = tpu.memref_squeeze %dma_start3A_18 : memref<1x79x128xi32, #tpu.memory_space<hbm>> -> memref<79x128xi32, #tpu.memory_space<hbm>>
      tpu.enqueue_dma source(%dma_start3A_19 : memref<79x128xi32, #tpu.memory_space<hbm>>) target(%arg4 : memref<79x128xi32, #tpu.memory_space<vmem>>) target_semaphore(%run_scoped3A : memref<!tpu.dma_semaphore, #tpu.memory_space<semaphore_mem>>)
      %dma_wait3A = arith.constant 0 : i32
      %dma_wait3A_20 = arith.constant 0 : i32
      %dma_wait3A_21 = tpu.memref_slice %arg2[%add3A, %dma_wait3A, %dma_wait3A_20] : memref<32x79x128xi32, #tpu.memory_space<hbm>> -> memref<1x79x128xi32, #tpu.memory_space<hbm>>
      %dma_wait3A_22 = tpu.memref_squeeze %dma_wait3A_21 : memref<1x79x128xi32, #tpu.memory_space<hbm>> -> memref<79x128xi32, #tpu.memory_space<hbm>>
      %dma_wait3A_23 = arith.constant 0 : i32
      %dma_wait3A_24 = arith.constant 0 : i32
      %dma_wait3A_25 = tpu.memref_slice %arg2[%add3A, %dma_wait3A_23, %dma_wait3A_24] : memref<32x79x128xi32, #tpu.memory_space<hbm>> -> memref<1x79x128xi32, #tpu.memory_space<hbm>>
      %dma_wait3A_26 = tpu.memref_squeeze %dma_wait3A_25 : memref<1x79x128xi32, #tpu.memory_space<hbm>> -> memref<79x128xi32, #tpu.memory_space<hbm>>
      tpu.wait_dma2 semaphore(%run_scoped3A : memref<!tpu.dma_semaphore, #tpu.memory_space<semaphore_mem>>) src(%dma_wait3A_26 : memref<79x128xi32, #tpu.memory_space<hbm>>) dst(%arg4 : memref<79x128xi32, #tpu.memory_space<vmem>>)
      tpu.yield
    }) : () -> ()
    %broadcast_in_dim3A = arith.constant 1.000000e+00 : f32
    %broadcast_in_dim3A_6 = vector.broadcast %broadcast_in_dim3A : f32 to vector<16xf32>
    %scan3A_7 = arith.constant 0 : i32
    %scan3A_8 = arith.constant 0 : i32
    %scan3A_9 = arith.constant 79 : i32
    %scan3A_10 = arith.addi %scan3A_8, %scan3A_9 : i32
    %scan3A_11 = arith.constant 1 : i32
    scf.for %scan3A_13 = %scan3A_8 to %scan3A_10 step %scan3A_11  : i32 {
      %get3A = arith.index_cast %scan3A_13 : i32 to index
      %get3A_14 = arith.constant 0 : index
      %get3A_15 = tpu.vector_load %arg4[%get3A, %get3A_14] {strides = array<i32>} : memref<79x128xi32, #tpu.memory_space<vmem>>, vector<16xi32>,
      tpu.vector_store_idx %arg5[%get3A_15], %broadcast_in_dim3A_6 {add = true} : memref<10112xf32, #tpu.memory_space<vmem>>[vector<16xi32>], vector<16xf32>,
      %get3A_16 = arith.index_cast %scan3A_13 : i32 to index
      %get3A_17 = arith.constant 16 : index
      %get3A_18 = tpu.vector_load %arg4[%get3A_16, %get3A_17] {strides = array<i32>} : memref<79x128xi32, #tpu.memory_space<vmem>>, vector<16xi32>,
      tpu.vector_store_idx %arg5[%get3A_18], %broadcast_in_dim3A_6 {add = true} : memref<10112xf32, #tpu.memory_space<vmem>>[vector<16xi32>], vector<16xf32>,
      %get3A_19 = arith.index_cast %scan3A_13 : i32 to index
      %get3A_20 = arith.constant 32 : index
      %get3A_21 = tpu.vector_load %arg4[%get3A_19, %get3A_20] {strides = array<i32>} : memref<79x128xi32, #tpu.memory_space<vmem>>, vector<16xi32>,
      tpu.vector_store_idx %arg5[%get3A_21], %broadcast_in_dim3A_6 {add = true} : memref<10112xf32, #tpu.memory_space<vmem>>[vector<16xi32>], vector<16xf32>,
      %get3A_22 = arith.index_cast %scan3A_13 : i32 to index
      %get3A_23 = arith.constant 48 : index
      %get3A_24 = tpu.vector_load %arg4[%get3A_22, %get3A_23] {strides = array<i32>} : memref<79x128xi32, #tpu.memory_space<vmem>>, vector<16xi32>,
      tpu.vector_store_idx %arg5[%get3A_24], %broadcast_in_dim3A_6 {add = true} : memref<10112xf32, #tpu.memory_space<vmem>>[vector<16xi32>], vector<16xf32>,
      %get3A_25 = arith.index_cast %scan3A_13 : i32 to index
      %get3A_26 = arith.constant 64 : index
      %get3A_27 = tpu.vector_load %arg4[%get3A_25, %get3A_26] {strides = array<i32>} : memref<79x128xi32, #tpu.memory_space<vmem>>, vector<16xi32>,
      tpu.vector_store_idx %arg5[%get3A_27], %broadcast_in_dim3A_6 {add = true} : memref<10112xf32, #tpu.memory_space<vmem>>[vector<16xi32>], vector<16xf32>,
      %get3A_28 = arith.index_cast %scan3A_13 : i32 to index
      %get3A_29 = arith.constant 80 : index
      %get3A_30 = tpu.vector_load %arg4[%get3A_28, %get3A_29] {strides = array<i32>} : memref<79x128xi32, #tpu.memory_space<vmem>>, vector<16xi32>,
      tpu.vector_store_idx %arg5[%get3A_30], %broadcast_in_dim3A_6 {add = true} : memref<10112xf32, #tpu.memory_space<vmem>>[vector<16xi32>], vector<16xf32>,
      %get3A_31 = arith.index_cast %scan3A_13 : i32 to index
      %get3A_32 = arith.constant 96 : index
      %get3A_33 = tpu.vector_load %arg4[%get3A_31, %get3A_32] {strides = array<i32>} : memref<79x128xi32, #tpu.memory_space<vmem>>, vector<16xi32>,
      tpu.vector_store_idx %arg5[%get3A_33], %broadcast_in_dim3A_6 {add = true} : memref<10112xf32, #tpu.memory_space<vmem>>[vector<16xi32>], vector<16xf32>,
      %get3A_34 = arith.index_cast %scan3A_13 : i32 to index
      %get3A_35 = arith.constant 112 : index
      %get3A_36 = tpu.vector_load %arg4[%get3A_34, %get3A_35] {strides = array<i32>} : memref<79x128xi32, #tpu.memory_space<vmem>>, vector<16xi32>,
      tpu.vector_store_idx %arg5[%get3A_36], %broadcast_in_dim3A_6 {add = true} : memref<10112xf32, #tpu.memory_space<vmem>>[vector<16xi32>], vector<16xf32>,
    }
    %scan3A_12 = arith.constant 79 : i32
    "tpu.region"() ({
      %run_scoped3A = tpu.sem_alloc : memref<!tpu.dma_semaphore, #tpu.memory_space<semaphore_mem>>
      %dma_start3A = arith.constant 0 : i32
      %dma_start3A_13 = tpu.memref_slice %arg3[%add3A, %dma_start3A] : memref<32x10112xf32, #tpu.memory_space<hbm>> -> memref<1x10112xf32, #tpu.memory_space<hbm>>
      %dma_start3A_14 = tpu.memref_squeeze %dma_start3A_13 : memref<1x10112xf32, #tpu.memory_space<hbm>> -> memref<10112xf32, #tpu.memory_space<hbm>>
      %dma_start3A_15 = arith.constant 0 : i32
      %dma_start3A_16 = tpu.memref_slice %arg3[%add3A, %dma_start3A_15] : memref<32x10112xf32, #tpu.memory_space<hbm>> -> memref<1x10112xf32, #tpu.memory_space<hbm>>
      %dma_start3A_17 = tpu.memref_squeeze %dma_start3A_16 : memref<1x10112xf32, #tpu.memory_space<hbm>> -> memref<10112xf32, #tpu.memory_space<hbm>>
      tpu.enqueue_dma source(%arg5 : memref<10112xf32, #tpu.memory_space<vmem>>) target(%dma_start3A_17 : memref<10112xf32, #tpu.memory_space<hbm>>) target_semaphore(%run_scoped3A : memref<!tpu.dma_semaphore, #tpu.memory_space<semaphore_mem>>)
      %dma_wait3A = arith.constant 0 : i32
      %dma_wait3A_18 = tpu.memref_slice %arg3[%add3A, %dma_wait3A] : memref<32x10112xf32, #tpu.memory_space<hbm>> -> memref<1x10112xf32, #tpu.memory_space<hbm>>
      %dma_wait3A_19 = tpu.memref_squeeze %dma_wait3A_18 : memref<1x10112xf32, #tpu.memory_space<hbm>> -> memref<10112xf32, #tpu.memory_space<hbm>>
      %dma_wait3A_20 = arith.constant 0 : i32
      %dma_wait3A_21 = tpu.memref_slice %arg3[%add3A, %dma_wait3A_20] : memref<32x10112xf32, #tpu.memory_space<hbm>> -> memref<1x10112xf32, #tpu.memory_space<hbm>>
      %dma_wait3A_22 = tpu.memref_squeeze %dma_wait3A_21 : memref<1x10112xf32, #tpu.memory_space<hbm>> -> memref<10112xf32, #tpu.memory_space<hbm>>
      tpu.wait_dma2 semaphore(%run_scoped3A : memref<!tpu.dma_semaphore, #tpu.memory_space<semaphore_mem>>) src(%arg5 : memref<10112xf32, #tpu.memory_space<vmem>>) dst(%dma_wait3A_22 : memref<10112xf32, #tpu.memory_space<hbm>>)
      tpu.yield
    }) : () -> ()
    return
  }
}

#map = affine_map<(d0, d1) -> (0, 0)>
#map1 = affine_map<(d0, d1) -> (0, 0, 0)>
module attributes {stable_mosaic.version = 14 : i64} {
  func.func @_agg_body(%arg0: i32, %arg1: i32, %arg2: memref<10000x128xf32, #tpu.memory_space<hbm>>, %arg3: memref<32x79x128xi32, #tpu.memory_space<hbm>>, %arg4: memref<32x79x128xi32, #tpu.memory_space<hbm>>, %arg5: memref<2x10112x128xf32, #tpu.memory_space<hbm>>, %arg6: memref<79x128xi32, #tpu.memory_space<vmem>>, %arg7: memref<1x128xi32, #tpu.memory_space<vmem>>, %arg8: memref<1x128xi32, #tpu.memory_space<vmem>>, %arg9: memref<128x128xf32, #tpu.memory_space<vmem>>, %arg10: memref<128x128xf32, #tpu.memory_space<vmem>>, %arg11: memref<10112x128xf32, #tpu.memory_space<vmem_shared>>, %arg12: memref<!tpu.dma_semaphore, #tpu.memory_space<semaphore_mem>>, %arg13: memref<!tpu.dma_semaphore, #tpu.memory_space<semaphore_mem>>, %arg14: memref<!tpu.dma_semaphore, #tpu.memory_space<semaphore_mem>>, %arg15: memref<!tpu.dma_semaphore, #tpu.memory_space<semaphore_mem>>, %arg16: memref<!tpu.dma_semaphore, #tpu.memory_space<semaphore_mem>>, %arg17: memref<!tpu.dma_semaphore, #tpu.memory_space<semaphore_mem>>) attributes {dimension_semantics = [#tpu.dimension_semantics<core_parallel>, #tpu.dimension_semantics<subcore_parallel>], iteration_bounds = array<i64: 2, 16>, scalar_prefetch = 0 : i64, scratch_operands = 12 : i64, tpu.core_type = #tpu.core_type<sc_vector_subcore>, window_params = [{transform_indices = #map}, {transform_indices = #map1}, {transform_indices = #map1}, {transform_indices = #map1}]} {
    %mul3A = arith.constant 16 : i32
    %mul3A_0 = arith.muli %arg0, %mul3A : i32
    %add3A = arith.addi %mul3A_0, %arg1 : i32
    %mul3A_1 = arith.constant 632 : i32
    %mul3A_2 = arith.muli %arg1, %mul3A_1 : i32
    %scan3A = arith.constant 0 : i32
    %scan3A_3 = arith.constant 0 : i32
    %scan3A_4 = arith.constant 128 : i32
    %scan3A_5 = arith.addi %scan3A_3, %scan3A_4 : i32
    %scan3A_6 = arith.constant 1 : i32
    scf.for %scan3A_243 = %scan3A_3 to %scan3A_5 step %scan3A_6  : i32 {
      %broadcast_in_dim3A = arith.constant 0.000000e+00 : f32
      %broadcast_in_dim3A_244 = vector.broadcast %broadcast_in_dim3A : f32 to vector<16xf32>
      %swap3A = arith.index_cast %scan3A_243 : i32 to index
      %swap3A_245 = arith.constant 0 : index
      %swap3A_246 = tpu.vector_load %arg9[%swap3A, %swap3A_245] {strides = array<i32>} : memref<128x128xf32, #tpu.memory_space<vmem>>, vector<1x16xf32>,
      %swap3A_247 = vector.shape_cast %swap3A_246 : vector<1x16xf32> to vector<16xf32>
      %swap3A_248 = vector.shape_cast %broadcast_in_dim3A_244 : vector<16xf32> to vector<1x16xf32>
      tpu.vector_store %arg9[%swap3A, %swap3A_245], %swap3A_248 {strides = array<i32>} : memref<128x128xf32, #tpu.memory_space<vmem>>, vector<1x16xf32>,
      %broadcast_in_dim3A_249 = arith.constant 0.000000e+00 : f32
      %broadcast_in_dim3A_250 = vector.broadcast %broadcast_in_dim3A_249 : f32 to vector<16xf32>
      %swap3A_251 = arith.index_cast %scan3A_243 : i32 to index
      %swap3A_252 = arith.constant 16 : index
      %swap3A_253 = tpu.vector_load %arg9[%swap3A_251, %swap3A_252] {strides = array<i32>} : memref<128x128xf32, #tpu.memory_space<vmem>>, vector<1x16xf32>,
      %swap3A_254 = vector.shape_cast %swap3A_253 : vector<1x16xf32> to vector<16xf32>
      %swap3A_255 = vector.shape_cast %broadcast_in_dim3A_250 : vector<16xf32> to vector<1x16xf32>
      tpu.vector_store %arg9[%swap3A_251, %swap3A_252], %swap3A_255 {strides = array<i32>} : memref<128x128xf32, #tpu.memory_space<vmem>>, vector<1x16xf32>,
      %broadcast_in_dim3A_256 = arith.constant 0.000000e+00 : f32
      %broadcast_in_dim3A_257 = vector.broadcast %broadcast_in_dim3A_256 : f32 to vector<16xf32>
      %swap3A_258 = arith.index_cast %scan3A_243 : i32 to index
      %swap3A_259 = arith.constant 32 : index
      %swap3A_260 = tpu.vector_load %arg9[%swap3A_258, %swap3A_259] {strides = array<i32>} : memref<128x128xf32, #tpu.memory_space<vmem>>, vector<1x16xf32>,
      %swap3A_261 = vector.shape_cast %swap3A_260 : vector<1x16xf32> to vector<16xf32>
      %swap3A_262 = vector.shape_cast %broadcast_in_dim3A_257 : vector<16xf32> to vector<1x16xf32>
      tpu.vector_store %arg9[%swap3A_258, %swap3A_259], %swap3A_262 {strides = array<i32>} : memref<128x128xf32, #tpu.memory_space<vmem>>, vector<1x16xf32>,
      %broadcast_in_dim3A_263 = arith.constant 0.000000e+00 : f32
      %broadcast_in_dim3A_264 = vector.broadcast %broadcast_in_dim3A_263 : f32 to vector<16xf32>
      %swap3A_265 = arith.index_cast %scan3A_243 : i32 to index
      %swap3A_266 = arith.constant 48 : index
      %swap3A_267 = tpu.vector_load %arg9[%swap3A_265, %swap3A_266] {strides = array<i32>} : memref<128x128xf32, #tpu.memory_space<vmem>>, vector<1x16xf32>,
      %swap3A_268 = vector.shape_cast %swap3A_267 : vector<1x16xf32> to vector<16xf32>
      %swap3A_269 = vector.shape_cast %broadcast_in_dim3A_264 : vector<16xf32> to vector<1x16xf32>
      tpu.vector_store %arg9[%swap3A_265, %swap3A_266], %swap3A_269 {strides = array<i32>} : memref<128x128xf32, #tpu.memory_space<vmem>>, vector<1x16xf32>,
      %broadcast_in_dim3A_270 = arith.constant 0.000000e+00 : f32
      %broadcast_in_dim3A_271 = vector.broadcast %broadcast_in_dim3A_270 : f32 to vector<16xf32>
      %swap3A_272 = arith.index_cast %scan3A_243 : i32 to index
      %swap3A_273 = arith.constant 64 : index
      %swap3A_274 = tpu.vector_load %arg9[%swap3A_272, %swap3A_273] {strides = array<i32>} : memref<128x128xf32, #tpu.memory_space<vmem>>, vector<1x16xf32>,
      %swap3A_275 = vector.shape_cast %swap3A_274 : vector<1x16xf32> to vector<16xf32>
      %swap3A_276 = vector.shape_cast %broadcast_in_dim3A_271 : vector<16xf32> to vector<1x16xf32>
      tpu.vector_store %arg9[%swap3A_272, %swap3A_273], %swap3A_276 {strides = array<i32>} : memref<128x128xf32, #tpu.memory_space<vmem>>, vector<1x16xf32>,
      %broadcast_in_dim3A_277 = arith.constant 0.000000e+00 : f32
      %broadcast_in_dim3A_278 = vector.broadcast %broadcast_in_dim3A_277 : f32 to vector<16xf32>
      %swap3A_279 = arith.index_cast %scan3A_243 : i32 to index
      %swap3A_280 = arith.constant 80 : index
      %swap3A_281 = tpu.vector_load %arg9[%swap3A_279, %swap3A_280] {strides = array<i32>} : memref<128x128xf32, #tpu.memory_space<vmem>>, vector<1x16xf32>,
      %swap3A_282 = vector.shape_cast %swap3A_281 : vector<1x16xf32> to vector<16xf32>
      %swap3A_283 = vector.shape_cast %broadcast_in_dim3A_278 : vector<16xf32> to vector<1x16xf32>
      tpu.vector_store %arg9[%swap3A_279, %swap3A_280], %swap3A_283 {strides = array<i32>} : memref<128x128xf32, #tpu.memory_space<vmem>>, vector<1x16xf32>,
      %broadcast_in_dim3A_284 = arith.constant 0.000000e+00 : f32
      %broadcast_in_dim3A_285 = vector.broadcast %broadcast_in_dim3A_284 : f32 to vector<16xf32>
      %swap3A_286 = arith.index_cast %scan3A_243 : i32 to index
      %swap3A_287 = arith.constant 96 : index
      %swap3A_288 = tpu.vector_load %arg9[%swap3A_286, %swap3A_287] {strides = array<i32>} : memref<128x128xf32, #tpu.memory_space<vmem>>, vector<1x16xf32>,
      %swap3A_289 = vector.shape_cast %swap3A_288 : vector<1x16xf32> to vector<16xf32>
      %swap3A_290 = vector.shape_cast %broadcast_in_dim3A_285 : vector<16xf32> to vector<1x16xf32>
      tpu.vector_store %arg9[%swap3A_286, %swap3A_287], %swap3A_290 {strides = array<i32>} : memref<128x128xf32, #tpu.memory_space<vmem>>, vector<1x16xf32>,
      %broadcast_in_dim3A_291 = arith.constant 0.000000e+00 : f32
      %broadcast_in_dim3A_292 = vector.broadcast %broadcast_in_dim3A_291 : f32 to vector<16xf32>
      %swap3A_293 = arith.index_cast %scan3A_243 : i32 to index
      %swap3A_294 = arith.constant 112 : index
      %swap3A_295 = tpu.vector_load %arg9[%swap3A_293, %swap3A_294] {strides = array<i32>} : memref<128x128xf32, #tpu.memory_space<vmem>>, vector<1x16xf32>,
      %swap3A_296 = vector.shape_cast %swap3A_295 : vector<1x16xf32> to vector<16xf32>
      %swap3A_297 = vector.shape_cast %broadcast_in_dim3A_292 : vector<16xf32> to vector<1x16xf32>
      tpu.vector_store %arg9[%swap3A_293, %swap3A_294], %swap3A_297 {strides = array<i32>} : memref<128x128xf32, #tpu.memory_space<vmem>>, vector<1x16xf32>,
    }
    %scan3A_7 = arith.constant 128 : i32
    %add3A_8 = arith.constant 0 : i32
    %add3A_9 = arith.addi %mul3A_2, %add3A_8 : i32
    "tpu.region"() ({
      %run_scoped3A = tpu.sem_alloc : memref<!tpu.dma_semaphore, #tpu.memory_space<semaphore_mem>>
      %dma_start3A_243 = arith.constant 0 : i32
      %dma_start3A_244 = tpu.memref_slice %arg11[%add3A_9, %dma_start3A_243] : memref<10112x128xf32, #tpu.memory_space<vmem_shared>> -> memref<128x128xf32, #tpu.memory_space<vmem_shared>>
      %dma_start3A_245 = arith.constant 0 : i32
      %dma_start3A_246 = tpu.memref_slice %arg11[%add3A_9, %dma_start3A_245] : memref<10112x128xf32, #tpu.memory_space<vmem_shared>> -> memref<128x128xf32, #tpu.memory_space<vmem_shared>>
      tpu.enqueue_dma source(%arg9 : memref<128x128xf32, #tpu.memory_space<vmem>>) target(%dma_start3A_246 : memref<128x128xf32, #tpu.memory_space<vmem_shared>>) target_semaphore(%run_scoped3A : memref<!tpu.dma_semaphore, #tpu.memory_space<semaphore_mem>>)
      %dma_wait3A_247 = arith.constant 0 : i32
      %dma_wait3A_248 = tpu.memref_slice %arg11[%add3A_9, %dma_wait3A_247] : memref<10112x128xf32, #tpu.memory_space<vmem_shared>> -> memref<128x128xf32, #tpu.memory_space<vmem_shared>>
      %dma_wait3A_249 = arith.constant 0 : i32
      %dma_wait3A_250 = tpu.memref_slice %arg11[%add3A_9, %dma_wait3A_249] : memref<10112x128xf32, #tpu.memory_space<vmem_shared>> -> memref<128x128xf32, #tpu.memory_space<vmem_shared>>
      tpu.wait_dma2 semaphore(%run_scoped3A : memref<!tpu.dma_semaphore, #tpu.memory_space<semaphore_mem>>) src(%arg9 : memref<128x128xf32, #tpu.memory_space<vmem>>) dst(%dma_wait3A_250 : memref<128x128xf32, #tpu.memory_space<vmem_shared>>)
      tpu.yield
    }) : () -> ()
    %add3A_10 = arith.constant 128 : i32
    %add3A_11 = arith.addi %mul3A_2, %add3A_10 : i32
    "tpu.region"() ({
      %run_scoped3A = tpu.sem_alloc : memref<!tpu.dma_semaphore, #tpu.memory_space<semaphore_mem>>
      %dma_start3A_243 = arith.constant 0 : i32
      %dma_start3A_244 = tpu.memref_slice %arg11[%add3A_11, %dma_start3A_243] : memref<10112x128xf32, #tpu.memory_space<vmem_shared>> -> memref<128x128xf32, #tpu.memory_space<vmem_shared>>
      %dma_start3A_245 = arith.constant 0 : i32
      %dma_start3A_246 = tpu.memref_slice %arg11[%add3A_11, %dma_start3A_245] : memref<10112x128xf32, #tpu.memory_space<vmem_shared>> -> memref<128x128xf32, #tpu.memory_space<vmem_shared>>
      tpu.enqueue_dma source(%arg9 : memref<128x128xf32, #tpu.memory_space<vmem>>) target(%dma_start3A_246 : memref<128x128xf32, #tpu.memory_space<vmem_shared>>) target_semaphore(%run_scoped3A : memref<!tpu.dma_semaphore, #tpu.memory_space<semaphore_mem>>)
      %dma_wait3A_247 = arith.constant 0 : i32
      %dma_wait3A_248 = tpu.memref_slice %arg11[%add3A_11, %dma_wait3A_247] : memref<10112x128xf32, #tpu.memory_space<vmem_shared>> -> memref<128x128xf32, #tpu.memory_space<vmem_shared>>
      %dma_wait3A_249 = arith.constant 0 : i32
      %dma_wait3A_250 = tpu.memref_slice %arg11[%add3A_11, %dma_wait3A_249] : memref<10112x128xf32, #tpu.memory_space<vmem_shared>> -> memref<128x128xf32, #tpu.memory_space<vmem_shared>>
      tpu.wait_dma2 semaphore(%run_scoped3A : memref<!tpu.dma_semaphore, #tpu.memory_space<semaphore_mem>>) src(%arg9 : memref<128x128xf32, #tpu.memory_space<vmem>>) dst(%dma_wait3A_250 : memref<128x128xf32, #tpu.memory_space<vmem_shared>>)
      tpu.yield
    }) : () -> ()
    %add3A_12 = arith.constant 256 : i32
    %add3A_13 = arith.addi %mul3A_2, %add3A_12 : i32
    "tpu.region"() ({
      %run_scoped3A = tpu.sem_alloc : memref<!tpu.dma_semaphore, #tpu.memory_space<semaphore_mem>>
      %dma_start3A_243 = arith.constant 0 : i32
      %dma_start3A_244 = tpu.memref_slice %arg11[%add3A_13, %dma_start3A_243] : memref<10112x128xf32, #tpu.memory_space<vmem_shared>> -> memref<128x128xf32, #tpu.memory_space<vmem_shared>>
      %dma_start3A_245 = arith.constant 0 : i32
      %dma_start3A_246 = tpu.memref_slice %arg11[%add3A_13, %dma_start3A_245] : memref<10112x128xf32, #tpu.memory_space<vmem_shared>> -> memref<128x128xf32, #tpu.memory_space<vmem_shared>>
      tpu.enqueue_dma source(%arg9 : memref<128x128xf32, #tpu.memory_space<vmem>>) target(%dma_start3A_246 : memref<128x128xf32, #tpu.memory_space<vmem_shared>>) target_semaphore(%run_scoped3A : memref<!tpu.dma_semaphore, #tpu.memory_space<semaphore_mem>>)
      %dma_wait3A_247 = arith.constant 0 : i32
      %dma_wait3A_248 = tpu.memref_slice %arg11[%add3A_13, %dma_wait3A_247] : memref<10112x128xf32, #tpu.memory_space<vmem_shared>> -> memref<128x128xf32, #tpu.memory_space<vmem_shared>>
      %dma_wait3A_249 = arith.constant 0 : i32
      %dma_wait3A_250 = tpu.memref_slice %arg11[%add3A_13, %dma_wait3A_249] : memref<10112x128xf32, #tpu.memory_space<vmem_shared>> -> memref<128x128xf32, #tpu.memory_space<vmem_shared>>
      tpu.wait_dma2 semaphore(%run_scoped3A : memref<!tpu.dma_semaphore, #tpu.memory_space<semaphore_mem>>) src(%arg9 : memref<128x128xf32, #tpu.memory_space<vmem>>) dst(%dma_wait3A_250 : memref<128x128xf32, #tpu.memory_space<vmem_shared>>)
      tpu.yield
    }) : () -> ()
    %add3A_14 = arith.constant 384 : i32
    %add3A_15 = arith.addi %mul3A_2, %add3A_14 : i32
    "tpu.region"() ({
      %run_scoped3A = tpu.sem_alloc : memref<!tpu.dma_semaphore, #tpu.memory_space<semaphore_mem>>
      %dma_start3A_243 = arith.constant 0 : i32
      %dma_start3A_244 = tpu.memref_slice %arg11[%add3A_15, %dma_start3A_243] : memref<10112x128xf32, #tpu.memory_space<vmem_shared>> -> memref<128x128xf32, #tpu.memory_space<vmem_shared>>
      %dma_start3A_245 = arith.constant 0 : i32
      %dma_start3A_246 = tpu.memref_slice %arg11[%add3A_15, %dma_start3A_245] : memref<10112x128xf32, #tpu.memory_space<vmem_shared>> -> memref<128x128xf32, #tpu.memory_space<vmem_shared>>
      tpu.enqueue_dma source(%arg9 : memref<128x128xf32, #tpu.memory_space<vmem>>) target(%dma_start3A_246 : memref<128x128xf32, #tpu.memory_space<vmem_shared>>) target_semaphore(%run_scoped3A : memref<!tpu.dma_semaphore, #tpu.memory_space<semaphore_mem>>)
      %dma_wait3A_247 = arith.constant 0 : i32
      %dma_wait3A_248 = tpu.memref_slice %arg11[%add3A_15, %dma_wait3A_247] : memref<10112x128xf32, #tpu.memory_space<vmem_shared>> -> memref<128x128xf32, #tpu.memory_space<vmem_shared>>
      %dma_wait3A_249 = arith.constant 0 : i32
      %dma_wait3A_250 = tpu.memref_slice %arg11[%add3A_15, %dma_wait3A_249] : memref<10112x128xf32, #tpu.memory_space<vmem_shared>> -> memref<128x128xf32, #tpu.memory_space<vmem_shared>>
      tpu.wait_dma2 semaphore(%run_scoped3A : memref<!tpu.dma_semaphore, #tpu.memory_space<semaphore_mem>>) src(%arg9 : memref<128x128xf32, #tpu.memory_space<vmem>>) dst(%dma_wait3A_250 : memref<128x128xf32, #tpu.memory_space<vmem_shared>>)
      tpu.yield
    }) : () -> ()
    %add3A_16 = arith.constant 512 : i32
    %add3A_17 = arith.addi %mul3A_2, %add3A_16 : i32
    "tpu.region"() ({
      %run_scoped3A = tpu.sem_alloc : memref<!tpu.dma_semaphore, #tpu.memory_space<semaphore_mem>>
      %dma_start3A_243 = arith.constant 0 : i32
      %dma_start3A_244 = arith.constant 0 : i32
      %dma_start3A_245 = tpu.memref_slice %arg9[%dma_start3A_243, %dma_start3A_244] : memref<128x128xf32, #tpu.memory_space<vmem>> -> memref<120x128xf32, #tpu.memory_space<vmem>>
      %dma_start3A_246 = arith.constant 0 : i32
      %dma_start3A_247 = tpu.memref_slice %arg11[%add3A_17, %dma_start3A_246] : memref<10112x128xf32, #tpu.memory_space<vmem_shared>> -> memref<120x128xf32, #tpu.memory_space<vmem_shared>>
      %dma_start3A_248 = arith.constant 0 : i32
      %dma_start3A_249 = tpu.memref_slice %arg11[%add3A_17, %dma_start3A_248] : memref<10112x128xf32, #tpu.memory_space<vmem_shared>> -> memref<120x128xf32, #tpu.memory_space<vmem_shared>>
      %dma_start3A_250 = arith.constant 0 : i32
      %dma_start3A_251 = arith.constant 0 : i32
      %dma_start3A_252 = tpu.memref_slice %arg9[%dma_start3A_250, %dma_start3A_251] : memref<128x128xf32, #tpu.memory_space<vmem>> -> memref<120x128xf32, #tpu.memory_space<vmem>>
      tpu.enqueue_dma source(%dma_start3A_252 : memref<120x128xf32, #tpu.memory_space<vmem>>) target(%dma_start3A_249 : memref<120x128xf32, #tpu.memory_space<vmem_shared>>) target_semaphore(%run_scoped3A : memref<!tpu.dma_semaphore, #tpu.memory_space<semaphore_mem>>)
      %dma_wait3A_253 = arith.constant 0 : i32
      %dma_wait3A_254 = arith.constant 0 : i32
      %dma_wait3A_255 = tpu.memref_slice %arg9[%dma_wait3A_253, %dma_wait3A_254] : memref<128x128xf32, #tpu.memory_space<vmem>> -> memref<120x128xf32, #tpu.memory_space<vmem>>
      %dma_wait3A_256 = arith.constant 0 : i32
      %dma_wait3A_257 = tpu.memref_slice %arg11[%add3A_17, %dma_wait3A_256] : memref<10112x128xf32, #tpu.memory_space<vmem_shared>> -> memref<120x128xf32, #tpu.memory_space<vmem_shared>>
      %dma_wait3A_258 = arith.constant 0 : i32
      %dma_wait3A_259 = tpu.memref_slice %arg11[%add3A_17, %dma_wait3A_258] : memref<10112x128xf32, #tpu.memory_space<vmem_shared>> -> memref<120x128xf32, #tpu.memory_space<vmem_shared>>
      %dma_wait3A_260 = arith.constant 0 : i32
      %dma_wait3A_261 = arith.constant 0 : i32
      %dma_wait3A_262 = tpu.memref_slice %arg9[%dma_wait3A_260, %dma_wait3A_261] : memref<128x128xf32, #tpu.memory_space<vmem>> -> memref<120x128xf32, #tpu.memory_space<vmem>>
      tpu.wait_dma2 semaphore(%run_scoped3A : memref<!tpu.dma_semaphore, #tpu.memory_space<semaphore_mem>>) src(%dma_wait3A_262 : memref<120x128xf32, #tpu.memory_space<vmem>>) dst(%dma_wait3A_259 : memref<120x128xf32, #tpu.memory_space<vmem_shared>>)
      tpu.yield
    }) : () -> ()
    "tpu.region"() ({
      %run_scoped3A = tpu.sem_alloc : memref<!tpu.dma_semaphore, #tpu.memory_space<semaphore_mem>>
      %dma_start3A_243 = arith.constant 0 : i32
      %dma_start3A_244 = arith.constant 0 : i32
      %dma_start3A_245 = tpu.memref_slice %arg4[%add3A, %dma_start3A_243, %dma_start3A_244] : memref<32x79x128xi32, #tpu.memory_space<hbm>> -> memref<1x79x128xi32, #tpu.memory_space<hbm>>
      %dma_start3A_246 = tpu.memref_squeeze %dma_start3A_245 : memref<1x79x128xi32, #tpu.memory_space<hbm>> -> memref<79x128xi32, #tpu.memory_space<hbm>>
      %dma_start3A_247 = arith.constant 0 : i32
      %dma_start3A_248 = arith.constant 0 : i32
      %dma_start3A_249 = tpu.memref_slice %arg4[%add3A, %dma_start3A_247, %dma_start3A_248] : memref<32x79x128xi32, #tpu.memory_space<hbm>> -> memref<1x79x128xi32, #tpu.memory_space<hbm>>
      %dma_start3A_250 = tpu.memref_squeeze %dma_start3A_249 : memref<1x79x128xi32, #tpu.memory_space<hbm>> -> memref<79x128xi32, #tpu.memory_space<hbm>>
      tpu.enqueue_dma source(%dma_start3A_250 : memref<79x128xi32, #tpu.memory_space<hbm>>) target(%arg6 : memref<79x128xi32, #tpu.memory_space<vmem>>) target_semaphore(%run_scoped3A : memref<!tpu.dma_semaphore, #tpu.memory_space<semaphore_mem>>)
      %dma_wait3A_251 = arith.constant 0 : i32
      %dma_wait3A_252 = arith.constant 0 : i32
      %dma_wait3A_253 = tpu.memref_slice %arg4[%add3A, %dma_wait3A_251, %dma_wait3A_252] : memref<32x79x128xi32, #tpu.memory_space<hbm>> -> memref<1x79x128xi32, #tpu.memory_space<hbm>>
      %dma_wait3A_254 = tpu.memref_squeeze %dma_wait3A_253 : memref<1x79x128xi32, #tpu.memory_space<hbm>> -> memref<79x128xi32, #tpu.memory_space<hbm>>
      %dma_wait3A_255 = arith.constant 0 : i32
      %dma_wait3A_256 = arith.constant 0 : i32
      %dma_wait3A_257 = tpu.memref_slice %arg4[%add3A, %dma_wait3A_255, %dma_wait3A_256] : memref<32x79x128xi32, #tpu.memory_space<hbm>> -> memref<1x79x128xi32, #tpu.memory_space<hbm>>
      %dma_wait3A_258 = tpu.memref_squeeze %dma_wait3A_257 : memref<1x79x128xi32, #tpu.memory_space<hbm>> -> memref<79x128xi32, #tpu.memory_space<hbm>>
      tpu.wait_dma2 semaphore(%run_scoped3A : memref<!tpu.dma_semaphore, #tpu.memory_space<semaphore_mem>>) src(%dma_wait3A_258 : memref<79x128xi32, #tpu.memory_space<hbm>>) dst(%arg6 : memref<79x128xi32, #tpu.memory_space<vmem>>)
      tpu.yield
    }) : () -> ()
    %barrier3A = arith.constant 0 : index
    tpu.barrier barrier_id(%barrier3A)
    %dma_start3A = arith.constant 0 : i32
    %dma_start3A_18 = arith.constant 0 : i32
    %dma_start3A_19 = tpu.memref_slice %arg3[%add3A, %dma_start3A, %dma_start3A_18] : memref<32x79x128xi32, #tpu.memory_space<hbm>> -> memref<1x1x128xi32, #tpu.memory_space<hbm>>
    %dma_start3A_20 = tpu.memref_squeeze %dma_start3A_19 : memref<1x1x128xi32, #tpu.memory_space<hbm>> -> memref<1x128xi32, #tpu.memory_space<hbm>>
    %dma_start3A_21 = arith.constant 0 : i32
    %dma_start3A_22 = arith.constant 0 : i32
    %dma_start3A_23 = tpu.memref_slice %arg3[%add3A, %dma_start3A_21, %dma_start3A_22] : memref<32x79x128xi32, #tpu.memory_space<hbm>> -> memref<1x1x128xi32, #tpu.memory_space<hbm>>
    %dma_start3A_24 = tpu.memref_squeeze %dma_start3A_23 : memref<1x1x128xi32, #tpu.memory_space<hbm>> -> memref<1x128xi32, #tpu.memory_space<hbm>>
    tpu.enqueue_dma source(%dma_start3A_24 : memref<1x128xi32, #tpu.memory_space<hbm>>) target(%arg7 : memref<1x128xi32, #tpu.memory_space<vmem>>) target_semaphore(%arg12 : memref<!tpu.dma_semaphore, #tpu.memory_space<semaphore_mem>>)
    %dma_start3A_25 = arith.constant 1 : i32
    %dma_start3A_26 = arith.constant 0 : i32
    %dma_start3A_27 = tpu.memref_slice %arg3[%add3A, %dma_start3A_25, %dma_start3A_26] : memref<32x79x128xi32, #tpu.memory_space<hbm>> -> memref<1x1x128xi32, #tpu.memory_space<hbm>>
    %dma_start3A_28 = tpu.memref_squeeze %dma_start3A_27 : memref<1x1x128xi32, #tpu.memory_space<hbm>> -> memref<1x128xi32, #tpu.memory_space<hbm>>
    %dma_start3A_29 = arith.constant 1 : i32
    %dma_start3A_30 = arith.constant 0 : i32
    %dma_start3A_31 = tpu.memref_slice %arg3[%add3A, %dma_start3A_29, %dma_start3A_30] : memref<32x79x128xi32, #tpu.memory_space<hbm>> -> memref<1x1x128xi32, #tpu.memory_space<hbm>>
    %dma_start3A_32 = tpu.memref_squeeze %dma_start3A_31 : memref<1x1x128xi32, #tpu.memory_space<hbm>> -> memref<1x128xi32, #tpu.memory_space<hbm>>
    tpu.enqueue_dma source(%dma_start3A_32 : memref<1x128xi32, #tpu.memory_space<hbm>>) target(%arg8 : memref<1x128xi32, #tpu.memory_space<vmem>>) target_semaphore(%arg13 : memref<!tpu.dma_semaphore, #tpu.memory_space<semaphore_mem>>)
    %dma_wait3A = arith.constant 0 : i32
    %dma_wait3A_33 = arith.constant 0 : i32
    %dma_wait3A_34 = tpu.memref_slice %arg3[%add3A, %dma_wait3A, %dma_wait3A_33] : memref<32x79x128xi32, #tpu.memory_space<hbm>> -> memref<1x1x128xi32, #tpu.memory_space<hbm>>
    %dma_wait3A_35 = tpu.memref_squeeze %dma_wait3A_34 : memref<1x1x128xi32, #tpu.memory_space<hbm>> -> memref<1x128xi32, #tpu.memory_space<hbm>>
    %dma_wait3A_36 = arith.constant 0 : i32
    %dma_wait3A_37 = arith.constant 0 : i32
    %dma_wait3A_38 = tpu.memref_slice %arg3[%add3A, %dma_wait3A_36, %dma_wait3A_37] : memref<32x79x128xi32, #tpu.memory_space<hbm>> -> memref<1x1x128xi32, #tpu.memory_space<hbm>>
    %dma_wait3A_39 = tpu.memref_squeeze %dma_wait3A_38 : memref<1x1x128xi32, #tpu.memory_space<hbm>> -> memref<1x128xi32, #tpu.memory_space<hbm>>
    tpu.wait_dma2 semaphore(%arg12 : memref<!tpu.dma_semaphore, #tpu.memory_space<semaphore_mem>>) src(%dma_wait3A_39 : memref<1x128xi32, #tpu.memory_space<hbm>>) dst(%arg7 : memref<1x128xi32, #tpu.memory_space<vmem>>)
    %dma_start3A_40 = arith.constant 0 : i32
    %dma_start3A_41 = arith.constant 0 : i32
    %dma_start3A_42 = tpu.memref_slice %arg7[%dma_start3A_40, %dma_start3A_41] : memref<1x128xi32, #tpu.memory_space<vmem>> -> memref<1x128xi32, #tpu.memory_space<vmem>>
    %dma_start3A_43 = tpu.memref_squeeze %dma_start3A_42 : memref<1x128xi32, #tpu.memory_space<vmem>> -> memref<128xi32, #tpu.memory_space<vmem>>
    %dma_start3A_44 = arith.constant 0 : i32
    %dma_start3A_45 = arith.constant 0 : i32
    %dma_start3A_46 = tpu.memref_slice %arg2[%dma_start3A_44, %dma_start3A_45] : memref<10000x128xf32, #tpu.memory_space<hbm>> -> memref<10000x128xf32, #tpu.memory_space<hbm>>
    tpu.enqueue_indirect_dma source(%dma_start3A_46 : memref<10000x128xf32, #tpu.memory_space<hbm>>) target(%arg9 : memref<128x128xf32, #tpu.memory_space<vmem>>) offsets(%dma_start3A_43 : memref<128xi32, #tpu.memory_space<vmem>>) semaphore(%arg14 : memref<!tpu.dma_semaphore, #tpu.memory_space<semaphore_mem>>)
    %dma_wait3A_47 = arith.constant 0 : i32
    %dma_wait3A_48 = arith.constant 0 : i32
    %dma_wait3A_49 = tpu.memref_slice %arg7[%dma_wait3A_47, %dma_wait3A_48] : memref<1x128xi32, #tpu.memory_space<vmem>> -> memref<1x128xi32, #tpu.memory_space<vmem>>
    %dma_wait3A_50 = tpu.memref_squeeze %dma_wait3A_49 : memref<1x128xi32, #tpu.memory_space<vmem>> -> memref<128xi32, #tpu.memory_space<vmem>>
    %dma_wait3A_51 = arith.constant 0 : i32
    %dma_wait3A_52 = arith.constant 0 : i32
    %dma_wait3A_53 = tpu.memref_slice %arg2[%dma_wait3A_51, %dma_wait3A_52] : memref<10000x128xf32, #tpu.memory_space<hbm>> -> memref<10000x128xf32, #tpu.memory_space<hbm>>
    tpu.wait_indirect_dma semaphore(%arg14 : memref<!tpu.dma_semaphore, #tpu.memory_space<semaphore_mem>>) src(%dma_wait3A_53 : memref<10000x128xf32, #tpu.memory_space<hbm>>) dst(%arg9 : memref<128x128xf32, #tpu.memory_space<vmem>>)
    %dma_start3A_54 = arith.constant 2 : i32
    %dma_start3A_55 = arith.constant 0 : i32
    %dma_start3A_56 = tpu.memref_slice %arg3[%add3A, %dma_start3A_54, %dma_start3A_55] : memref<32x79x128xi32, #tpu.memory_space<hbm>> -> memref<1x1x128xi32, #tpu.memory_space<hbm>>
    %dma_start3A_57 = tpu.memref_squeeze %dma_start3A_56 : memref<1x1x128xi32, #tpu.memory_space<hbm>> -> memref<1x128xi32, #tpu.memory_space<hbm>>
    %dma_start3A_58 = arith.constant 2 : i32
    %dma_start3A_59 = arith.constant 0 : i32
    %dma_start3A_60 = tpu.memref_slice %arg3[%add3A, %dma_start3A_58, %dma_start3A_59] : memref<32x79x128xi32, #tpu.memory_space<hbm>> -> memref<1x1x128xi32, #tpu.memory_space<hbm>>
    %dma_start3A_61 = tpu.memref_squeeze %dma_start3A_60 : memref<1x1x128xi32, #tpu.memory_space<hbm>> -> memref<1x128xi32, #tpu.memory_space<hbm>>
    tpu.enqueue_dma source(%dma_start3A_61 : memref<1x128xi32, #tpu.memory_space<hbm>>) target(%arg7 : memref<1x128xi32, #tpu.memory_space<vmem>>) target_semaphore(%arg12 : memref<!tpu.dma_semaphore, #tpu.memory_space<semaphore_mem>>)
    %dma_start3A_62 = arith.constant 0 : i32
    %dma_start3A_63 = arith.constant 0 : i32
    %dma_start3A_64 = tpu.memref_slice %arg6[%dma_start3A_62, %dma_start3A_63] : memref<79x128xi32, #tpu.memory_space<vmem>> -> memref<1x128xi32, #tpu.memory_space<vmem>>
    %dma_start3A_65 = tpu.memref_squeeze %dma_start3A_64 : memref<1x128xi32, #tpu.memory_space<vmem>> -> memref<128xi32, #tpu.memory_space<vmem>>
    %dma_start3A_66 = arith.constant 0 : i32
    %dma_start3A_67 = arith.constant 0 : i32
    %dma_start3A_68 = tpu.memref_slice %arg11[%dma_start3A_66, %dma_start3A_67] : memref<10112x128xf32, #tpu.memory_space<vmem_shared>> -> memref<10112x128xf32, #tpu.memory_space<vmem_shared>>
    tpu.enqueue_indirect_dma source(%arg9 : memref<128x128xf32, #tpu.memory_space<vmem>>) target(%dma_start3A_68 : memref<10112x128xf32, #tpu.memory_space<vmem_shared>>) offsets(%dma_start3A_65 : memref<128xi32, #tpu.memory_space<vmem>>) semaphore(%arg16 : memref<!tpu.dma_semaphore, #tpu.memory_space<semaphore_mem>>) {add = true}
    %dma_wait3A_69 = arith.constant 0 : i32
    %dma_wait3A_70 = arith.constant 0 : i32
    %dma_wait3A_71 = tpu.memref_slice %arg3[%add3A, %dma_wait3A_69, %dma_wait3A_70] : memref<32x79x128xi32, #tpu.memory_space<hbm>> -> memref<1x1x128xi32, #tpu.memory_space<hbm>>
    %dma_wait3A_72 = tpu.memref_squeeze %dma_wait3A_71 : memref<1x1x128xi32, #tpu.memory_space<hbm>> -> memref<1x128xi32, #tpu.memory_space<hbm>>
    %dma_wait3A_73 = arith.constant 0 : i32
    %dma_wait3A_74 = arith.constant 0 : i32
    %dma_wait3A_75 = tpu.memref_slice %arg3[%add3A, %dma_wait3A_73, %dma_wait3A_74] : memref<32x79x128xi32, #tpu.memory_space<hbm>> -> memref<1x1x128xi32, #tpu.memory_space<hbm>>
    %dma_wait3A_76 = tpu.memref_squeeze %dma_wait3A_75 : memref<1x1x128xi32, #tpu.memory_space<hbm>> -> memref<1x128xi32, #tpu.memory_space<hbm>>
    tpu.wait_dma2 semaphore(%arg13 : memref<!tpu.dma_semaphore, #tpu.memory_space<semaphore_mem>>) src(%dma_wait3A_76 : memref<1x128xi32, #tpu.memory_space<hbm>>) dst(%arg8 : memref<1x128xi32, #tpu.memory_space<vmem>>)
    %dma_start3A_77 = arith.constant 0 : i32
    %dma_start3A_78 = arith.constant 0 : i32
    %dma_start3A_79 = tpu.memref_slice %arg8[%dma_start3A_77, %dma_start3A_78] : memref<1x128xi32, #tpu.memory_space<vmem>> -> memref<1x128xi32, #tpu.memory_space<vmem>>
    %dma_start3A_80 = tpu.memref_squeeze %dma_start3A_79 : memref<1x128xi32, #tpu.memory_space<vmem>> -> memref<128xi32, #tpu.memory_space<vmem>>
    %dma_start3A_81 = arith.constant 0 : i32
    %dma_start3A_82 = arith.constant 0 : i32
    %dma_start3A_83 = tpu.memref_slice %arg2[%dma_start3A_81, %dma_start3A_82] : memref<10000x128xf32, #tpu.memory_space<hbm>> -> memref<10000x128xf32, #tpu.memory_space<hbm>>
    tpu.enqueue_indirect_dma source(%dma_start3A_83 : memref<10000x128xf32, #tpu.memory_space<hbm>>) target(%arg10 : memref<128x128xf32, #tpu.memory_space<vmem>>) offsets(%dma_start3A_80 : memref<128xi32, #tpu.memory_space<vmem>>) semaphore(%arg15 : memref<!tpu.dma_semaphore, #tpu.memory_space<semaphore_mem>>)
    %dma_wait3A_84 = arith.constant 0 : i32
    %dma_wait3A_85 = arith.constant 0 : i32
    %dma_wait3A_86 = tpu.memref_slice %arg8[%dma_wait3A_84, %dma_wait3A_85] : memref<1x128xi32, #tpu.memory_space<vmem>> -> memref<1x128xi32, #tpu.memory_space<vmem>>
    %dma_wait3A_87 = tpu.memref_squeeze %dma_wait3A_86 : memref<1x128xi32, #tpu.memory_space<vmem>> -> memref<128xi32, #tpu.memory_space<vmem>>
    %dma_wait3A_88 = arith.constant 0 : i32
    %dma_wait3A_89 = arith.constant 0 : i32
    %dma_wait3A_90 = tpu.memref_slice %arg2[%dma_wait3A_88, %dma_wait3A_89] : memref<10000x128xf32, #tpu.memory_space<hbm>> -> memref<10000x128xf32, #tpu.memory_space<hbm>>
    tpu.wait_indirect_dma semaphore(%arg15 : memref<!tpu.dma_semaphore, #tpu.memory_space<semaphore_mem>>) src(%dma_wait3A_90 : memref<10000x128xf32, #tpu.memory_space<hbm>>) dst(%arg10 : memref<128x128xf32, #tpu.memory_space<vmem>>)
    %dma_start3A_91 = arith.constant 3 : i32
    %dma_start3A_92 = arith.constant 0 : i32
    %dma_start3A_93 = tpu.memref_slice %arg3[%add3A, %dma_start3A_91, %dma_start3A_92] : memref<32x79x128xi32, #tpu.memory_space<hbm>> -> memref<1x1x128xi32, #tpu.memory_space<hbm>>
    %dma_start3A_94 = tpu.memref_squeeze %dma_start3A_93 : memref<1x1x128xi32, #tpu.memory_space<hbm>> -> memref<1x128xi32, #tpu.memory_space<hbm>>
    %dma_start3A_95 = arith.constant 3 : i32
    %dma_start3A_96 = arith.constant 0 : i32
    %dma_start3A_97 = tpu.memref_slice %arg3[%add3A, %dma_start3A_95, %dma_start3A_96] : memref<32x79x128xi32, #tpu.memory_space<hbm>> -> memref<1x1x128xi32, #tpu.memory_space<hbm>>
    %dma_start3A_98 = tpu.memref_squeeze %dma_start3A_97 : memref<1x1x128xi32, #tpu.memory_space<hbm>> -> memref<1x128xi32, #tpu.memory_space<hbm>>
    tpu.enqueue_dma source(%dma_start3A_98 : memref<1x128xi32, #tpu.memory_space<hbm>>) target(%arg8 : memref<1x128xi32, #tpu.memory_space<vmem>>) target_semaphore(%arg13 : memref<!tpu.dma_semaphore, #tpu.memory_space<semaphore_mem>>)
    %dma_start3A_99 = arith.constant 1 : i32
    %dma_start3A_100 = arith.constant 0 : i32
    %dma_start3A_101 = tpu.memref_slice %arg6[%dma_start3A_99, %dma_start3A_100] : memref<79x128xi32, #tpu.memory_space<vmem>> -> memref<1x128xi32, #tpu.memory_space<vmem>>
    %dma_start3A_102 = tpu.memref_squeeze %dma_start3A_101 : memref<1x128xi32, #tpu.memory_space<vmem>> -> memref<128xi32, #tpu.memory_space<vmem>>
    %dma_start3A_103 = arith.constant 0 : i32
    %dma_start3A_104 = arith.constant 0 : i32
    %dma_start3A_105 = tpu.memref_slice %arg11[%dma_start3A_103, %dma_start3A_104] : memref<10112x128xf32, #tpu.memory_space<vmem_shared>> -> memref<10112x128xf32, #tpu.memory_space<vmem_shared>>
    tpu.enqueue_indirect_dma source(%arg10 : memref<128x128xf32, #tpu.memory_space<vmem>>) target(%dma_start3A_105 : memref<10112x128xf32, #tpu.memory_space<vmem_shared>>) offsets(%dma_start3A_102 : memref<128xi32, #tpu.memory_space<vmem>>) semaphore(%arg17 : memref<!tpu.dma_semaphore, #tpu.memory_space<semaphore_mem>>) {add = true}
    %scan3A_106 = arith.constant 0 : i32
    %scan3A_107 = arith.constant 1 : i32
    %scan3A_108 = arith.constant 37 : i32
    %scan3A_109 = arith.addi %scan3A_107, %scan3A_108 : i32
    %scan3A_110 = arith.constant 1 : i32
    scf.for %scan3A_243 = %scan3A_107 to %scan3A_109 step %scan3A_110  : i32 {
      %mul3A_244 = arith.constant 2 : i32
      %mul3A_245 = arith.muli %mul3A_244, %scan3A_243 : i32
      %add3A_246 = arith.constant 0 : i32
      %add3A_247 = arith.addi %mul3A_245, %add3A_246 : i32
      %dma_wait3A_248 = arith.constant 0 : i32
      %dma_wait3A_249 = arith.constant 0 : i32
      %dma_wait3A_250 = tpu.memref_slice %arg3[%add3A, %dma_wait3A_248, %dma_wait3A_249] : memref<32x79x128xi32, #tpu.memory_space<hbm>> -> memref<1x1x128xi32, #tpu.memory_space<hbm>>
      %dma_wait3A_251 = tpu.memref_squeeze %dma_wait3A_250 : memref<1x1x128xi32, #tpu.memory_space<hbm>> -> memref<1x128xi32, #tpu.memory_space<hbm>>
      %dma_wait3A_252 = arith.constant 0 : i32
      %dma_wait3A_253 = arith.constant 0 : i32
      %dma_wait3A_254 = tpu.memref_slice %arg3[%add3A, %dma_wait3A_252, %dma_wait3A_253] : memref<32x79x128xi32, #tpu.memory_space<hbm>> -> memref<1x1x128xi32, #tpu.memory_space<hbm>>
      %dma_wait3A_255 = tpu.memref_squeeze %dma_wait3A_254 : memref<1x1x128xi32, #tpu.memory_space<hbm>> -> memref<1x128xi32, #tpu.memory_space<hbm>>
      tpu.wait_dma2 semaphore(%arg12 : memref<!tpu.dma_semaphore, #tpu.memory_space<semaphore_mem>>) src(%dma_wait3A_255 : memref<1x128xi32, #tpu.memory_space<hbm>>) dst(%arg7 : memref<1x128xi32, #tpu.memory_space<vmem>>)
      %dma_wait3A_256 = arith.constant 0 : i32
      %dma_wait3A_257 = arith.constant 0 : i32
      %dma_wait3A_258 = tpu.memref_slice %arg6[%dma_wait3A_256, %dma_wait3A_257] : memref<79x128xi32, #tpu.memory_space<vmem>> -> memref<1x128xi32, #tpu.memory_space<vmem>>
      %dma_wait3A_259 = tpu.memref_squeeze %dma_wait3A_258 : memref<1x128xi32, #tpu.memory_space<vmem>> -> memref<128xi32, #tpu.memory_space<vmem>>
      %dma_wait3A_260 = arith.constant 0 : i32
      %dma_wait3A_261 = arith.constant 0 : i32
      %dma_wait3A_262 = tpu.memref_slice %arg11[%dma_wait3A_260, %dma_wait3A_261] : memref<10112x128xf32, #tpu.memory_space<vmem_shared>> -> memref<10112x128xf32, #tpu.memory_space<vmem_shared>>
      tpu.wait_indirect_dma semaphore(%arg16 : memref<!tpu.dma_semaphore, #tpu.memory_space<semaphore_mem>>) src(%arg9 : memref<128x128xf32, #tpu.memory_space<vmem>>) dst(%dma_wait3A_262 : memref<10112x128xf32, #tpu.memory_space<vmem_shared>>)
      %dma_start3A_263 = arith.constant 0 : i32
      %dma_start3A_264 = arith.constant 0 : i32
      %dma_start3A_265 = tpu.memref_slice %arg7[%dma_start3A_263, %dma_start3A_264] : memref<1x128xi32, #tpu.memory_space<vmem>> -> memref<1x128xi32, #tpu.memory_space<vmem>>
      %dma_start3A_266 = tpu.memref_squeeze %dma_start3A_265 : memref<1x128xi32, #tpu.memory_space<vmem>> -> memref<128xi32, #tpu.memory_space<vmem>>
      %dma_start3A_267 = arith.constant 0 : i32
      %dma_start3A_268 = arith.constant 0 : i32
      %dma_start3A_269 = tpu.memref_slice %arg2[%dma_start3A_267, %dma_start3A_268] : memref<10000x128xf32, #tpu.memory_space<hbm>> -> memref<10000x128xf32, #tpu.memory_space<hbm>>
      tpu.enqueue_indirect_dma source(%dma_start3A_269 : memref<10000x128xf32, #tpu.memory_space<hbm>>) target(%arg9 : memref<128x128xf32, #tpu.memory_space<vmem>>) offsets(%dma_start3A_266 : memref<128xi32, #tpu.memory_space<vmem>>) semaphore(%arg14 : memref<!tpu.dma_semaphore, #tpu.memory_space<semaphore_mem>>)
      %dma_wait3A_270 = arith.constant 0 : i32
      %dma_wait3A_271 = arith.constant 0 : i32
      %dma_wait3A_272 = tpu.memref_slice %arg7[%dma_wait3A_270, %dma_wait3A_271] : memref<1x128xi32, #tpu.memory_space<vmem>> -> memref<1x128xi32, #tpu.memory_space<vmem>>
      %dma_wait3A_273 = tpu.memref_squeeze %dma_wait3A_272 : memref<1x128xi32, #tpu.memory_space<vmem>> -> memref<128xi32, #tpu.memory_space<vmem>>
      %dma_wait3A_274 = arith.constant 0 : i32
      %dma_wait3A_275 = arith.constant 0 : i32
      %dma_wait3A_276 = tpu.memref_slice %arg2[%dma_wait3A_274, %dma_wait3A_275] : memref<10000x128xf32, #tpu.memory_space<hbm>> -> memref<10000x128xf32, #tpu.memory_space<hbm>>
      tpu.wait_indirect_dma semaphore(%arg14 : memref<!tpu.dma_semaphore, #tpu.memory_space<semaphore_mem>>) src(%dma_wait3A_276 : memref<10000x128xf32, #tpu.memory_space<hbm>>) dst(%arg9 : memref<128x128xf32, #tpu.memory_space<vmem>>)
      %add3A_277 = arith.constant 2 : i32
      %add3A_278 = arith.addi %add3A_247, %add3A_277 : i32
      %dma_start3A_279 = arith.constant 0 : i32
      %dma_start3A_280 = tpu.memref_slice %arg3[%add3A, %add3A_278, %dma_start3A_279] : memref<32x79x128xi32, #tpu.memory_space<hbm>> -> memref<1x1x128xi32, #tpu.memory_space<hbm>>
      %dma_start3A_281 = tpu.memref_squeeze %dma_start3A_280 : memref<1x1x128xi32, #tpu.memory_space<hbm>> -> memref<1x128xi32, #tpu.memory_space<hbm>>
      %dma_start3A_282 = arith.constant 0 : i32
      %dma_start3A_283 = tpu.memref_slice %arg3[%add3A, %add3A_278, %dma_start3A_282] : memref<32x79x128xi32, #tpu.memory_space<hbm>> -> memref<1x1x128xi32, #tpu.memory_space<hbm>>
      %dma_start3A_284 = tpu.memref_squeeze %dma_start3A_283 : memref<1x1x128xi32, #tpu.memory_space<hbm>> -> memref<1x128xi32, #tpu.memory_space<hbm>>
      tpu.enqueue_dma source(%dma_start3A_284 : memref<1x128xi32, #tpu.memory_space<hbm>>) target(%arg7 : memref<1x128xi32, #tpu.memory_space<vmem>>) target_semaphore(%arg12 : memref<!tpu.dma_semaphore, #tpu.memory_space<semaphore_mem>>)
      %dma_start3A_285 = arith.constant 0 : i32
      %dma_start3A_286 = tpu.memref_slice %arg6[%add3A_247, %dma_start3A_285] : memref<79x128xi32, #tpu.memory_space<vmem>> -> memref<1x128xi32, #tpu.memory_space<vmem>>
      %dma_start3A_287 = tpu.memref_squeeze %dma_start3A_286 : memref<1x128xi32, #tpu.memory_space<vmem>> -> memref<128xi32, #tpu.memory_space<vmem>>
      %dma_start3A_288 = arith.constant 0 : i32
      %dma_start3A_289 = arith.constant 0 : i32
      %dma_start3A_290 = tpu.memref_slice %arg11[%dma_start3A_288, %dma_start3A_289] : memref<10112x128xf32, #tpu.memory_space<vmem_shared>> -> memref<10112x128xf32, #tpu.memory_space<vmem_shared>>
      tpu.enqueue_indirect_dma source(%arg9 : memref<128x128xf32, #tpu.memory_space<vmem>>) target(%dma_start3A_290 : memref<10112x128xf32, #tpu.memory_space<vmem_shared>>) offsets(%dma_start3A_287 : memref<128xi32, #tpu.memory_space<vmem>>) semaphore(%arg16 : memref<!tpu.dma_semaphore, #tpu.memory_space<semaphore_mem>>) {add = true}
      %add3A_291 = arith.constant 1 : i32
      %add3A_292 = arith.addi %mul3A_245, %add3A_291 : i32
      %dma_wait3A_293 = arith.constant 0 : i32
      %dma_wait3A_294 = arith.constant 0 : i32
      %dma_wait3A_295 = tpu.memref_slice %arg3[%add3A, %dma_wait3A_293, %dma_wait3A_294] : memref<32x79x128xi32, #tpu.memory_space<hbm>> -> memref<1x1x128xi32, #tpu.memory_space<hbm>>
      %dma_wait3A_296 = tpu.memref_squeeze %dma_wait3A_295 : memref<1x1x128xi32, #tpu.memory_space<hbm>> -> memref<1x128xi32, #tpu.memory_space<hbm>>
      %dma_wait3A_297 = arith.constant 0 : i32
      %dma_wait3A_298 = arith.constant 0 : i32
      %dma_wait3A_299 = tpu.memref_slice %arg3[%add3A, %dma_wait3A_297, %dma_wait3A_298] : memref<32x79x128xi32, #tpu.memory_space<hbm>> -> memref<1x1x128xi32, #tpu.memory_space<hbm>>
      %dma_wait3A_300 = tpu.memref_squeeze %dma_wait3A_299 : memref<1x1x128xi32, #tpu.memory_space<hbm>> -> memref<1x128xi32, #tpu.memory_space<hbm>>
      tpu.wait_dma2 semaphore(%arg13 : memref<!tpu.dma_semaphore, #tpu.memory_space<semaphore_mem>>) src(%dma_wait3A_300 : memref<1x128xi32, #tpu.memory_space<hbm>>) dst(%arg8 : memref<1x128xi32, #tpu.memory_space<vmem>>)
      %dma_wait3A_301 = arith.constant 0 : i32
      %dma_wait3A_302 = arith.constant 0 : i32
      %dma_wait3A_303 = tpu.memref_slice %arg6[%dma_wait3A_301, %dma_wait3A_302] : memref<79x128xi32, #tpu.memory_space<vmem>> -> memref<1x128xi32, #tpu.memory_space<vmem>>
      %dma_wait3A_304 = tpu.memref_squeeze %dma_wait3A_303 : memref<1x128xi32, #tpu.memory_space<vmem>> -> memref<128xi32, #tpu.memory_space<vmem>>
      %dma_wait3A_305 = arith.constant 0 : i32
      %dma_wait3A_306 = arith.constant 0 : i32
      %dma_wait3A_307 = tpu.memref_slice %arg11[%dma_wait3A_305, %dma_wait3A_306] : memref<10112x128xf32, #tpu.memory_space<vmem_shared>> -> memref<10112x128xf32, #tpu.memory_space<vmem_shared>>
      tpu.wait_indirect_dma semaphore(%arg17 : memref<!tpu.dma_semaphore, #tpu.memory_space<semaphore_mem>>) src(%arg10 : memref<128x128xf32, #tpu.memory_space<vmem>>) dst(%dma_wait3A_307 : memref<10112x128xf32, #tpu.memory_space<vmem_shared>>)
      %dma_start3A_308 = arith.constant 0 : i32
      %dma_start3A_309 = arith.constant 0 : i32
      %dma_start3A_310 = tpu.memref_slice %arg8[%dma_start3A_308, %dma_start3A_309] : memref<1x128xi32, #tpu.memory_space<vmem>> -> memref<1x128xi32, #tpu.memory_space<vmem>>
      %dma_start3A_311 = tpu.memref_squeeze %dma_start3A_310 : memref<1x128xi32, #tpu.memory_space<vmem>> -> memref<128xi32, #tpu.memory_space<vmem>>
      %dma_start3A_312 = arith.constant 0 : i32
      %dma_start3A_313 = arith.constant 0 : i32
      %dma_start3A_314 = tpu.memref_slice %arg2[%dma_start3A_312, %dma_start3A_313] : memref<10000x128xf32, #tpu.memory_space<hbm>> -> memref<10000x128xf32, #tpu.memory_space<hbm>>
      tpu.enqueue_indirect_dma source(%dma_start3A_314 : memref<10000x128xf32, #tpu.memory_space<hbm>>) target(%arg10 : memref<128x128xf32, #tpu.memory_space<vmem>>) offsets(%dma_start3A_311 : memref<128xi32, #tpu.memory_space<vmem>>) semaphore(%arg15 : memref<!tpu.dma_semaphore, #tpu.memory_space<semaphore_mem>>)
      %dma_wait3A_315 = arith.constant 0 : i32
      %dma_wait3A_316 = arith.constant 0 : i32
      %dma_wait3A_317 = tpu.memref_slice %arg8[%dma_wait3A_315, %dma_wait3A_316] : memref<1x128xi32, #tpu.memory_space<vmem>> -> memref<1x128xi32, #tpu.memory_space<vmem>>
      %dma_wait3A_318 = tpu.memref_squeeze %dma_wait3A_317 : memref<1x128xi32, #tpu.memory_space<vmem>> -> memref<128xi32, #tpu.memory_space<vmem>>
      %dma_wait3A_319 = arith.constant 0 : i32
      %dma_wait3A_320 = arith.constant 0 : i32
      %dma_wait3A_321 = tpu.memref_slice %arg2[%dma_wait3A_319, %dma_wait3A_320] : memref<10000x128xf32, #tpu.memory_space<hbm>> -> memref<10000x128xf32, #tpu.memory_space<hbm>>
      tpu.wait_indirect_dma semaphore(%arg15 : memref<!tpu.dma_semaphore, #tpu.memory_space<semaphore_mem>>) src(%dma_wait3A_321 : memref<10000x128xf32, #tpu.memory_space<hbm>>) dst(%arg10 : memref<128x128xf32, #tpu.memory_space<vmem>>)
      %add3A_322 = arith.constant 2 : i32
      %add3A_323 = arith.addi %add3A_292, %add3A_322 : i32
      %dma_start3A_324 = arith.constant 0 : i32
      %dma_start3A_325 = tpu.memref_slice %arg3[%add3A, %add3A_323, %dma_start3A_324] : memref<32x79x128xi32, #tpu.memory_space<hbm>> -> memref<1x1x128xi32, #tpu.memory_space<hbm>>
      %dma_start3A_326 = tpu.memref_squeeze %dma_start3A_325 : memref<1x1x128xi32, #tpu.memory_space<hbm>> -> memref<1x128xi32, #tpu.memory_space<hbm>>
      %dma_start3A_327 = arith.constant 0 : i32
      %dma_start3A_328 = tpu.memref_slice %arg3[%add3A, %add3A_323, %dma_start3A_327] : memref<32x79x128xi32, #tpu.memory_space<hbm>> -> memref<1x1x128xi32, #tpu.memory_space<hbm>>
      %dma_start3A_329 = tpu.memref_squeeze %dma_start3A_328 : memref<1x1x128xi32, #tpu.memory_space<hbm>> -> memref<1x128xi32, #tpu.memory_space<hbm>>
      tpu.enqueue_dma source(%dma_start3A_329 : memref<1x128xi32, #tpu.memory_space<hbm>>) target(%arg8 : memref<1x128xi32, #tpu.memory_space<vmem>>) target_semaphore(%arg13 : memref<!tpu.dma_semaphore, #tpu.memory_space<semaphore_mem>>)
      %dma_start3A_330 = arith.constant 0 : i32
      %dma_start3A_331 = tpu.memref_slice %arg6[%add3A_292, %dma_start3A_330] : memref<79x128xi32, #tpu.memory_space<vmem>> -> memref<1x128xi32, #tpu.memory_space<vmem>>
      %dma_start3A_332 = tpu.memref_squeeze %dma_start3A_331 : memref<1x128xi32, #tpu.memory_space<vmem>> -> memref<128xi32, #tpu.memory_space<vmem>>
      %dma_start3A_333 = arith.constant 0 : i32
      %dma_start3A_334 = arith.constant 0 : i32
      %dma_start3A_335 = tpu.memref_slice %arg11[%dma_start3A_333, %dma_start3A_334] : memref<10112x128xf32, #tpu.memory_space<vmem_shared>> -> memref<10112x128xf32, #tpu.memory_space<vmem_shared>>
      tpu.enqueue_indirect_dma source(%arg10 : memref<128x128xf32, #tpu.memory_space<vmem>>) target(%dma_start3A_335 : memref<10112x128xf32, #tpu.memory_space<vmem_shared>>) offsets(%dma_start3A_332 : memref<128xi32, #tpu.memory_space<vmem>>) semaphore(%arg17 : memref<!tpu.dma_semaphore, #tpu.memory_space<semaphore_mem>>) {add = true}
    }
    %scan3A_111 = arith.constant 37 : i32
    %dma_wait3A_112 = arith.constant 0 : i32
    %dma_wait3A_113 = arith.constant 0 : i32
    %dma_wait3A_114 = tpu.memref_slice %arg3[%add3A, %dma_wait3A_112, %dma_wait3A_113] : memref<32x79x128xi32, #tpu.memory_space<hbm>> -> memref<1x1x128xi32, #tpu.memory_space<hbm>>
    %dma_wait3A_115 = tpu.memref_squeeze %dma_wait3A_114 : memref<1x1x128xi32, #tpu.memory_space<hbm>> -> memref<1x128xi32, #tpu.memory_space<hbm>>
    %dma_wait3A_116 = arith.constant 0 : i32
    %dma_wait3A_117 = arith.constant 0 : i32
    %dma_wait3A_118 = tpu.memref_slice %arg3[%add3A, %dma_wait3A_116, %dma_wait3A_117] : memref<32x79x128xi32, #tpu.memory_space<hbm>> -> memref<1x1x128xi32, #tpu.memory_space<hbm>>
    %dma_wait3A_119 = tpu.memref_squeeze %dma_wait3A_118 : memref<1x1x128xi32, #tpu.memory_space<hbm>> -> memref<1x128xi32, #tpu.memory_space<hbm>>
    tpu.wait_dma2 semaphore(%arg12 : memref<!tpu.dma_semaphore, #tpu.memory_space<semaphore_mem>>) src(%dma_wait3A_119 : memref<1x128xi32, #tpu.memory_space<hbm>>) dst(%arg7 : memref<1x128xi32, #tpu.memory_space<vmem>>)
    %dma_wait3A_120 = arith.constant 0 : i32
    %dma_wait3A_121 = arith.constant 0 : i32
    %dma_wait3A_122 = tpu.memref_slice %arg6[%dma_wait3A_120, %dma_wait3A_121] : memref<79x128xi32, #tpu.memory_space<vmem>> -> memref<1x128xi32, #tpu.memory_space<vmem>>
    %dma_wait3A_123 = tpu.memref_squeeze %dma_wait3A_122 : memref<1x128xi32, #tpu.memory_space<vmem>> -> memref<128xi32, #tpu.memory_space<vmem>>
    %dma_wait3A_124 = arith.constant 0 : i32
    %dma_wait3A_125 = arith.constant 0 : i32
    %dma_wait3A_126 = tpu.memref_slice %arg11[%dma_wait3A_124, %dma_wait3A_125] : memref<10112x128xf32, #tpu.memory_space<vmem_shared>> -> memref<10112x128xf32, #tpu.memory_space<vmem_shared>>
    tpu.wait_indirect_dma semaphore(%arg16 : memref<!tpu.dma_semaphore, #tpu.memory_space<semaphore_mem>>) src(%arg9 : memref<128x128xf32, #tpu.memory_space<vmem>>) dst(%dma_wait3A_126 : memref<10112x128xf32, #tpu.memory_space<vmem_shared>>)
    %dma_start3A_127 = arith.constant 0 : i32
    %dma_start3A_128 = arith.constant 0 : i32
    %dma_start3A_129 = tpu.memref_slice %arg7[%dma_start3A_127, %dma_start3A_128] : memref<1x128xi32, #tpu.memory_space<vmem>> -> memref<1x128xi32, #tpu.memory_space<vmem>>
    %dma_start3A_130 = tpu.memref_squeeze %dma_start3A_129 : memref<1x128xi32, #tpu.memory_space<vmem>> -> memref<128xi32, #tpu.memory_space<vmem>>
    %dma_start3A_131 = arith.constant 0 : i32
    %dma_start3A_132 = arith.constant 0 : i32
    %dma_start3A_133 = tpu.memref_slice %arg2[%dma_start3A_131, %dma_start3A_132] : memref<10000x128xf32, #tpu.memory_space<hbm>> -> memref<10000x128xf32, #tpu.memory_space<hbm>>
    tpu.enqueue_indirect_dma source(%dma_start3A_133 : memref<10000x128xf32, #tpu.memory_space<hbm>>) target(%arg9 : memref<128x128xf32, #tpu.memory_space<vmem>>) offsets(%dma_start3A_130 : memref<128xi32, #tpu.memory_space<vmem>>) semaphore(%arg14 : memref<!tpu.dma_semaphore, #tpu.memory_space<semaphore_mem>>)
    %dma_wait3A_134 = arith.constant 0 : i32
    %dma_wait3A_135 = arith.constant 0 : i32
    %dma_wait3A_136 = tpu.memref_slice %arg7[%dma_wait3A_134, %dma_wait3A_135] : memref<1x128xi32, #tpu.memory_space<vmem>> -> memref<1x128xi32, #tpu.memory_space<vmem>>
    %dma_wait3A_137 = tpu.memref_squeeze %dma_wait3A_136 : memref<1x128xi32, #tpu.memory_space<vmem>> -> memref<128xi32, #tpu.memory_space<vmem>>
    %dma_wait3A_138 = arith.constant 0 : i32
    %dma_wait3A_139 = arith.constant 0 : i32
    %dma_wait3A_140 = tpu.memref_slice %arg2[%dma_wait3A_138, %dma_wait3A_139] : memref<10000x128xf32, #tpu.memory_space<hbm>> -> memref<10000x128xf32, #tpu.memory_space<hbm>>
    tpu.wait_indirect_dma semaphore(%arg14 : memref<!tpu.dma_semaphore, #tpu.memory_space<semaphore_mem>>) src(%dma_wait3A_140 : memref<10000x128xf32, #tpu.memory_space<hbm>>) dst(%arg9 : memref<128x128xf32, #tpu.memory_space<vmem>>)
    %dma_start3A_141 = arith.constant 78 : i32
    %dma_start3A_142 = arith.constant 0 : i32
    %dma_start3A_143 = tpu.memref_slice %arg3[%add3A, %dma_start3A_141, %dma_start3A_142] : memref<32x79x128xi32, #tpu.memory_space<hbm>> -> memref<1x1x128xi32, #tpu.memory_space<hbm>>
    %dma_start3A_144 = tpu.memref_squeeze %dma_start3A_143 : memref<1x1x128xi32, #tpu.memory_space<hbm>> -> memref<1x128xi32, #tpu.memory_space<hbm>>
    %dma_start3A_145 = arith.constant 78 : i32
    %dma_start3A_146 = arith.constant 0 : i32
    %dma_start3A_147 = tpu.memref_slice %arg3[%add3A, %dma_start3A_145, %dma_start3A_146] : memref<32x79x128xi32, #tpu.memory_space<hbm>> -> memref<1x1x128xi32, #tpu.memory_space<hbm>>
    %dma_start3A_148 = tpu.memref_squeeze %dma_start3A_147 : memref<1x1x128xi32, #tpu.memory_space<hbm>> -> memref<1x128xi32, #tpu.memory_space<hbm>>
    tpu.enqueue_dma source(%dma_start3A_148 : memref<1x128xi32, #tpu.memory_space<hbm>>) target(%arg7 : memref<1x128xi32, #tpu.memory_space<vmem>>) target_semaphore(%arg12 : memref<!tpu.dma_semaphore, #tpu.memory_space<semaphore_mem>>)
    %dma_start3A_149 = arith.constant 76 : i32
    %dma_start3A_150 = arith.constant 0 : i32
    %dma_start3A_151 = tpu.memref_slice %arg6[%dma_start3A_149, %dma_start3A_150] : memref<79x128xi32, #tpu.memory_space<vmem>> -> memref<1x128xi32, #tpu.memory_space<vmem>>
    %dma_start3A_152 = tpu.memref_squeeze %dma_start3A_151 : memref<1x128xi32, #tpu.memory_space<vmem>> -> memref<128xi32, #tpu.memory_space<vmem>>
    %dma_start3A_153 = arith.constant 0 : i32
    %dma_start3A_154 = arith.constant 0 : i32
    %dma_start3A_155 = tpu.memref_slice %arg11[%dma_start3A_153, %dma_start3A_154] : memref<10112x128xf32, #tpu.memory_space<vmem_shared>> -> memref<10112x128xf32, #tpu.memory_space<vmem_shared>>
    tpu.enqueue_indirect_dma source(%arg9 : memref<128x128xf32, #tpu.memory_space<vmem>>) target(%dma_start3A_155 : memref<10112x128xf32, #tpu.memory_space<vmem_shared>>) offsets(%dma_start3A_152 : memref<128xi32, #tpu.memory_space<vmem>>) semaphore(%arg16 : memref<!tpu.dma_semaphore, #tpu.memory_space<semaphore_mem>>) {add = true}
    %dma_wait3A_156 = arith.constant 0 : i32
    %dma_wait3A_157 = arith.constant 0 : i32
    %dma_wait3A_158 = tpu.memref_slice %arg3[%add3A, %dma_wait3A_156, %dma_wait3A_157] : memref<32x79x128xi32, #tpu.memory_space<hbm>> -> memref<1x1x128xi32, #tpu.memory_space<hbm>>
    %dma_wait3A_159 = tpu.memref_squeeze %dma_wait3A_158 : memref<1x1x128xi32, #tpu.memory_space<hbm>> -> memref<1x128xi32, #tpu.memory_space<hbm>>
    %dma_wait3A_160 = arith.constant 0 : i32
    %dma_wait3A_161 = arith.constant 0 : i32
    %dma_wait3A_162 = tpu.memref_slice %arg3[%add3A, %dma_wait3A_160, %dma_wait3A_161] : memref<32x79x128xi32, #tpu.memory_space<hbm>> -> memref<1x1x128xi32, #tpu.memory_space<hbm>>
    %dma_wait3A_163 = tpu.memref_squeeze %dma_wait3A_162 : memref<1x1x128xi32, #tpu.memory_space<hbm>> -> memref<1x128xi32, #tpu.memory_space<hbm>>
    tpu.wait_dma2 semaphore(%arg13 : memref<!tpu.dma_semaphore, #tpu.memory_space<semaphore_mem>>) src(%dma_wait3A_163 : memref<1x128xi32, #tpu.memory_space<hbm>>) dst(%arg8 : memref<1x128xi32, #tpu.memory_space<vmem>>)
    %dma_wait3A_164 = arith.constant 0 : i32
    %dma_wait3A_165 = arith.constant 0 : i32
    %dma_wait3A_166 = tpu.memref_slice %arg6[%dma_wait3A_164, %dma_wait3A_165] : memref<79x128xi32, #tpu.memory_space<vmem>> -> memref<1x128xi32, #tpu.memory_space<vmem>>
    %dma_wait3A_167 = tpu.memref_squeeze %dma_wait3A_166 : memref<1x128xi32, #tpu.memory_space<vmem>> -> memref<128xi32, #tpu.memory_space<vmem>>
    %dma_wait3A_168 = arith.constant 0 : i32
    %dma_wait3A_169 = arith.constant 0 : i32
    %dma_wait3A_170 = tpu.memref_slice %arg11[%dma_wait3A_168, %dma_wait3A_169] : memref<10112x128xf32, #tpu.memory_space<vmem_shared>> -> memref<10112x128xf32, #tpu.memory_space<vmem_shared>>
    tpu.wait_indirect_dma semaphore(%arg17 : memref<!tpu.dma_semaphore, #tpu.memory_space<semaphore_mem>>) src(%arg10 : memref<128x128xf32, #tpu.memory_space<vmem>>) dst(%dma_wait3A_170 : memref<10112x128xf32, #tpu.memory_space<vmem_shared>>)
    %dma_start3A_171 = arith.constant 0 : i32
    %dma_start3A_172 = arith.constant 0 : i32
    %dma_start3A_173 = tpu.memref_slice %arg8[%dma_start3A_171, %dma_start3A_172] : memref<1x128xi32, #tpu.memory_space<vmem>> -> memref<1x128xi32, #tpu.memory_space<vmem>>
    %dma_start3A_174 = tpu.memref_squeeze %dma_start3A_173 : memref<1x128xi32, #tpu.memory_space<vmem>> -> memref<128xi32, #tpu.memory_space<vmem>>
    %dma_start3A_175 = arith.constant 0 : i32
    %dma_start3A_176 = arith.constant 0 : i32
    %dma_start3A_177 = tpu.memref_slice %arg2[%dma_start3A_175, %dma_start3A_176] : memref<10000x128xf32, #tpu.memory_space<hbm>> -> memref<10000x128xf32, #tpu.memory_space<hbm>>
    tpu.enqueue_indirect_dma source(%dma_start3A_177 : memref<10000x128xf32, #tpu.memory_space<hbm>>) target(%arg10 : memref<128x128xf32, #tpu.memory_space<vmem>>) offsets(%dma_start3A_174 : memref<128xi32, #tpu.memory_space<vmem>>) semaphore(%arg15 : memref<!tpu.dma_semaphore, #tpu.memory_space<semaphore_mem>>)
    %dma_wait3A_178 = arith.constant 0 : i32
    %dma_wait3A_179 = arith.constant 0 : i32
    %dma_wait3A_180 = tpu.memref_slice %arg8[%dma_wait3A_178, %dma_wait3A_179] : memref<1x128xi32, #tpu.memory_space<vmem>> -> memref<1x128xi32, #tpu.memory_space<vmem>>
    %dma_wait3A_181 = tpu.memref_squeeze %dma_wait3A_180 : memref<1x128xi32, #tpu.memory_space<vmem>> -> memref<128xi32, #tpu.memory_space<vmem>>
    %dma_wait3A_182 = arith.constant 0 : i32
    %dma_wait3A_183 = arith.constant 0 : i32
    %dma_wait3A_184 = tpu.memref_slice %arg2[%dma_wait3A_182, %dma_wait3A_183] : memref<10000x128xf32, #tpu.memory_space<hbm>> -> memref<10000x128xf32, #tpu.memory_space<hbm>>
    tpu.wait_indirect_dma semaphore(%arg15 : memref<!tpu.dma_semaphore, #tpu.memory_space<semaphore_mem>>) src(%dma_wait3A_184 : memref<10000x128xf32, #tpu.memory_space<hbm>>) dst(%arg10 : memref<128x128xf32, #tpu.memory_space<vmem>>)
    %dma_start3A_185 = arith.constant 77 : i32
    %dma_start3A_186 = arith.constant 0 : i32
    %dma_start3A_187 = tpu.memref_slice %arg6[%dma_start3A_185, %dma_start3A_186] : memref<79x128xi32, #tpu.memory_space<vmem>> -> memref<1x128xi32, #tpu.memory_space<vmem>>
    %dma_start3A_188 = tpu.memref_squeeze %dma_start3A_187 : memref<1x128xi32, #tpu.memory_space<vmem>> -> memref<128xi32, #tpu.memory_space<vmem>>
    %dma_start3A_189 = arith.constant 0 : i32
    %dma_start3A_190 = arith.constant 0 : i32
    %dma_start3A_191 = tpu.memref_slice %arg11[%dma_start3A_189, %dma_start3A_190] : memref<10112x128xf32, #tpu.memory_space<vmem_shared>> -> memref<10112x128xf32, #tpu.memory_space<vmem_shared>>
    tpu.enqueue_indirect_dma source(%arg10 : memref<128x128xf32, #tpu.memory_space<vmem>>) target(%dma_start3A_191 : memref<10112x128xf32, #tpu.memory_space<vmem_shared>>) offsets(%dma_start3A_188 : memref<128xi32, #tpu.memory_space<vmem>>) semaphore(%arg17 : memref<!tpu.dma_semaphore, #tpu.memory_space<semaphore_mem>>) {add = true}
    %dma_wait3A_192 = arith.constant 0 : i32
    %dma_wait3A_193 = arith.constant 0 : i32
    %dma_wait3A_194 = tpu.memref_slice %arg3[%add3A, %dma_wait3A_192, %dma_wait3A_193] : memref<32x79x128xi32, #tpu.memory_space<hbm>> -> memref<1x1x128xi32, #tpu.memory_space<hbm>>
    %dma_wait3A_195 = tpu.memref_squeeze %dma_wait3A_194 : memref<1x1x128xi32, #tpu.memory_space<hbm>> -> memref<1x128xi32, #tpu.memory_space<hbm>>
    %dma_wait3A_196 = arith.constant 0 : i32
    %dma_wait3A_197 = arith.constant 0 : i32
    %dma_wait3A_198 = tpu.memref_slice %arg3[%add3A, %dma_wait3A_196, %dma_wait3A_197] : memref<32x79x128xi32, #tpu.memory_space<hbm>> -> memref<1x1x128xi32, #tpu.memory_space<hbm>>
    %dma_wait3A_199 = tpu.memref_squeeze %dma_wait3A_198 : memref<1x1x128xi32, #tpu.memory_space<hbm>> -> memref<1x128xi32, #tpu.memory_space<hbm>>
    tpu.wait_dma2 semaphore(%arg12 : memref<!tpu.dma_semaphore, #tpu.memory_space<semaphore_mem>>) src(%dma_wait3A_199 : memref<1x128xi32, #tpu.memory_space<hbm>>) dst(%arg7 : memref<1x128xi32, #tpu.memory_space<vmem>>)
    %dma_wait3A_200 = arith.constant 0 : i32
    %dma_wait3A_201 = arith.constant 0 : i32
    %dma_wait3A_202 = tpu.memref_slice %arg6[%dma_wait3A_200, %dma_wait3A_201] : memref<79x128xi32, #tpu.memory_space<vmem>> -> memref<1x128xi32, #tpu.memory_space<vmem>>
    %dma_wait3A_203 = tpu.memref_squeeze %dma_wait3A_202 : memref<1x128xi32, #tpu.memory_space<vmem>> -> memref<128xi32, #tpu.memory_space<vmem>>
    %dma_wait3A_204 = arith.constant 0 : i32
    %dma_wait3A_205 = arith.constant 0 : i32
    %dma_wait3A_206 = tpu.memref_slice %arg11[%dma_wait3A_204, %dma_wait3A_205] : memref<10112x128xf32, #tpu.memory_space<vmem_shared>> -> memref<10112x128xf32, #tpu.memory_space<vmem_shared>>
    tpu.wait_indirect_dma semaphore(%arg16 : memref<!tpu.dma_semaphore, #tpu.memory_space<semaphore_mem>>) src(%arg9 : memref<128x128xf32, #tpu.memory_space<vmem>>) dst(%dma_wait3A_206 : memref<10112x128xf32, #tpu.memory_space<vmem_shared>>)
    %dma_start3A_207 = arith.constant 0 : i32
    %dma_start3A_208 = arith.constant 0 : i32
    %dma_start3A_209 = tpu.memref_slice %arg7[%dma_start3A_207, %dma_start3A_208] : memref<1x128xi32, #tpu.memory_space<vmem>> -> memref<1x128xi32, #tpu.memory_space<vmem>>
    %dma_start3A_210 = tpu.memref_squeeze %dma_start3A_209 : memref<1x128xi32, #tpu.memory_space<vmem>> -> memref<128xi32, #tpu.memory_space<vmem>>
    %dma_start3A_211 = arith.constant 0 : i32
    %dma_start3A_212 = arith.constant 0 : i32
    %dma_start3A_213 = tpu.memref_slice %arg2[%dma_start3A_211, %dma_start3A_212] : memref<10000x128xf32, #tpu.memory_space<hbm>> -> memref<10000x128xf32, #tpu.memory_space<hbm>>
    tpu.enqueue_indirect_dma source(%dma_start3A_213 : memref<10000x128xf32, #tpu.memory_space<hbm>>) target(%arg9 : memref<128x128xf32, #tpu.memory_space<vmem>>) offsets(%dma_start3A_210 : memref<128xi32, #tpu.memory_space<vmem>>) semaphore(%arg14 : memref<!tpu.dma_semaphore, #tpu.memory_space<semaphore_mem>>)
    %dma_wait3A_214 = arith.constant 0 : i32
    %dma_wait3A_215 = arith.constant 0 : i32
    %dma_wait3A_216 = tpu.memref_slice %arg7[%dma_wait3A_214, %dma_wait3A_215] : memref<1x128xi32, #tpu.memory_space<vmem>> -> memref<1x128xi32, #tpu.memory_space<vmem>>
    %dma_wait3A_217 = tpu.memref_squeeze %dma_wait3A_216 : memref<1x128xi32, #tpu.memory_space<vmem>> -> memref<128xi32, #tpu.memory_space<vmem>>
    %dma_wait3A_218 = arith.constant 0 : i32
    %dma_wait3A_219 = arith.constant 0 : i32
    %dma_wait3A_220 = tpu.memref_slice %arg2[%dma_wait3A_218, %dma_wait3A_219] : memref<10000x128xf32, #tpu.memory_space<hbm>> -> memref<10000x128xf32, #tpu.memory_space<hbm>>
    tpu.wait_indirect_dma semaphore(%arg14 : memref<!tpu.dma_semaphore, #tpu.memory_space<semaphore_mem>>) src(%dma_wait3A_220 : memref<10000x128xf32, #tpu.memory_space<hbm>>) dst(%arg9 : memref<128x128xf32, #tpu.memory_space<vmem>>)
    %dma_start3A_221 = arith.constant 78 : i32
    %dma_start3A_222 = arith.constant 0 : i32
    %dma_start3A_223 = tpu.memref_slice %arg6[%dma_start3A_221, %dma_start3A_222] : memref<79x128xi32, #tpu.memory_space<vmem>> -> memref<1x128xi32, #tpu.memory_space<vmem>>
    %dma_start3A_224 = tpu.memref_squeeze %dma_start3A_223 : memref<1x128xi32, #tpu.memory_space<vmem>> -> memref<128xi32, #tpu.memory_space<vmem>>
    %dma_start3A_225 = arith.constant 0 : i32
    %dma_start3A_226 = arith.constant 0 : i32
    %dma_start3A_227 = tpu.memref_slice %arg11[%dma_start3A_225, %dma_start3A_226] : memref<10112x128xf32, #tpu.memory_space<vmem_shared>> -> memref<10112x128xf32, #tpu.memory_space<vmem_shared>>
    tpu.enqueue_indirect_dma source(%arg9 : memref<128x128xf32, #tpu.memory_space<vmem>>) target(%dma_start3A_227 : memref<10112x128xf32, #tpu.memory_space<vmem_shared>>) offsets(%dma_start3A_224 : memref<128xi32, #tpu.memory_space<vmem>>) semaphore(%arg16 : memref<!tpu.dma_semaphore, #tpu.memory_space<semaphore_mem>>) {add = true}
    %dma_wait3A_228 = arith.constant 0 : i32
    %dma_wait3A_229 = arith.constant 0 : i32
    %dma_wait3A_230 = tpu.memref_slice %arg6[%dma_wait3A_228, %dma_wait3A_229] : memref<79x128xi32, #tpu.memory_space<vmem>> -> memref<1x128xi32, #tpu.memory_space<vmem>>
    %dma_wait3A_231 = tpu.memref_squeeze %dma_wait3A_230 : memref<1x128xi32, #tpu.memory_space<vmem>> -> memref<128xi32, #tpu.memory_space<vmem>>
    %dma_wait3A_232 = arith.constant 0 : i32
    %dma_wait3A_233 = arith.constant 0 : i32
    %dma_wait3A_234 = tpu.memref_slice %arg11[%dma_wait3A_232, %dma_wait3A_233] : memref<10112x128xf32, #tpu.memory_space<vmem_shared>> -> memref<10112x128xf32, #tpu.memory_space<vmem_shared>>
    tpu.wait_indirect_dma semaphore(%arg17 : memref<!tpu.dma_semaphore, #tpu.memory_space<semaphore_mem>>) src(%arg10 : memref<128x128xf32, #tpu.memory_space<vmem>>) dst(%dma_wait3A_234 : memref<10112x128xf32, #tpu.memory_space<vmem_shared>>)
    %dma_wait3A_235 = arith.constant 0 : i32
    %dma_wait3A_236 = arith.constant 0 : i32
    %dma_wait3A_237 = tpu.memref_slice %arg6[%dma_wait3A_235, %dma_wait3A_236] : memref<79x128xi32, #tpu.memory_space<vmem>> -> memref<1x128xi32, #tpu.memory_space<vmem>>
    %dma_wait3A_238 = tpu.memref_squeeze %dma_wait3A_237 : memref<1x128xi32, #tpu.memory_space<vmem>> -> memref<128xi32, #tpu.memory_space<vmem>>
    %dma_wait3A_239 = arith.constant 0 : i32
    %dma_wait3A_240 = arith.constant 0 : i32
    %dma_wait3A_241 = tpu.memref_slice %arg11[%dma_wait3A_239, %dma_wait3A_240] : memref<10112x128xf32, #tpu.memory_space<vmem_shared>> -> memref<10112x128xf32, #tpu.memory_space<vmem_shared>>
    tpu.wait_indirect_dma semaphore(%arg16 : memref<!tpu.dma_semaphore, #tpu.memory_space<semaphore_mem>>) src(%arg9 : memref<128x128xf32, #tpu.memory_space<vmem>>) dst(%dma_wait3A_241 : memref<10112x128xf32, #tpu.memory_space<vmem_shared>>)
    %barrier3A_242 = arith.constant 0 : index
    tpu.barrier barrier_id(%barrier3A_242)
    "tpu.region"() ({
      %run_scoped3A = tpu.sem_alloc : memref<!tpu.dma_semaphore, #tpu.memory_space<semaphore_mem>>
      %dma_start3A_243 = arith.constant 0 : i32
      %dma_start3A_244 = tpu.memref_slice %arg5[%arg0, %mul3A_2, %dma_start3A_243] : memref<2x10112x128xf32, #tpu.memory_space<hbm>> -> memref<1x632x128xf32, #tpu.memory_space<hbm>>
      %dma_start3A_245 = tpu.memref_squeeze %dma_start3A_244 : memref<1x632x128xf32, #tpu.memory_space<hbm>> -> memref<632x128xf32, #tpu.memory_space<hbm>>
      %dma_start3A_246 = arith.constant 0 : i32
      %dma_start3A_247 = tpu.memref_slice %arg11[%mul3A_2, %dma_start3A_246] : memref<10112x128xf32, #tpu.memory_space<vmem_shared>> -> memref<632x128xf32, #tpu.memory_space<vmem_shared>>
      tpu.enqueue_dma source(%dma_start3A_247 : memref<632x128xf32, #tpu.memory_space<vmem_shared>>) target(%dma_start3A_245 : memref<632x128xf32, #tpu.memory_space<hbm>>) target_semaphore(%run_scoped3A : memref<!tpu.dma_semaphore, #tpu.memory_space<semaphore_mem>>)
      %dma_wait3A_248 = arith.constant 0 : i32
      %dma_wait3A_249 = tpu.memref_slice %arg5[%arg0, %mul3A_2, %dma_wait3A_248] : memref<2x10112x128xf32, #tpu.memory_space<hbm>> -> memref<1x632x128xf32, #tpu.memory_space<hbm>>
      %dma_wait3A_250 = tpu.memref_squeeze %dma_wait3A_249 : memref<1x632x128xf32, #tpu.memory_space<hbm>> -> memref<632x128xf32, #tpu.memory_space<hbm>>
      %dma_wait3A_251 = arith.constant 0 : i32
      %dma_wait3A_252 = tpu.memref_slice %arg11[%mul3A_2, %dma_wait3A_251] : memref<10112x128xf32, #tpu.memory_space<vmem_shared>> -> memref<632x128xf32, #tpu.memory_space<vmem_shared>>
      tpu.wait_dma2 semaphore(%run_scoped3A : memref<!tpu.dma_semaphore, #tpu.memory_space<semaphore_mem>>) src(%dma_wait3A_252 : memref<632x128xf32, #tpu.memory_space<vmem_shared>>) dst(%dma_wait3A_250 : memref<632x128xf32, #tpu.memory_space<hbm>>)
      tpu.yield
    }) : () -> ()
    return
  }
}

module attributes {stable_mosaic.version = 14 : i64} {
  func.func @_mm_body(%arg0: memref<10000x128xf32, #tpu.memory_space<vmem>>, %arg1: memref<128x128xf32, #tpu.memory_space<vmem>>, %arg2: memref<10000x128xf32, #tpu.memory_space<vmem>>) attributes {dimension_semantics = [], scalar_prefetch = 0 : i64, scratch_operands = 0 : i64, tpu.core_type = #tpu.core_type<tc>} {
    %get3A = arith.constant 0 : index
    %get3A_0 = arith.constant 0 : index
    %get3A_1 = vector.load %arg0[%get3A, %get3A_0] : memref<10000x128xf32, #tpu.memory_space<vmem>>, vector<10000x128xf32>
    %get3A_2 = arith.constant 0 : index
    %get3A_3 = arith.constant 0 : index
    %get3A_4 = vector.load %arg1[%get3A_2, %get3A_3] : memref<128x128xf32, #tpu.memory_space<vmem>>, vector<128x128xf32>
    %dot_general3A = arith.constant dense<0.000000e+00> : vector<10000x128xf32>
    %dot_general3A_5 = tpu.matmul %get3A_1, %get3A_4, %dot_general3A {dimension_numbers = #tpu.dot_dimension_numbers<[1], [0], [0], [1], [0, 0, 1, 1], [], []>, transpose_lhs_hint = false} : vector<10000x128xf32>, vector<128x128xf32>, vector<10000x128xf32> -> vector<10000x128xf32>
    %swap3A = arith.constant 0 : index
    %swap3A_6 = arith.constant 0 : index
    %swap3A_7 = vector.load %arg2[%swap3A, %swap3A_6] : memref<10000x128xf32, #tpu.memory_space<vmem>>, vector<10000x128xf32>
    tpu.vector_store %arg2[%swap3A, %swap3A_6], %dot_general3A_5 {strides = array<i32>} : memref<10000x128xf32, #tpu.memory_space<vmem>>, vector<10000x128xf32>,
    return
  }
}

module attributes {stable_mosaic.version = 14 : i64} {
  func.func @_pre_body(%arg0: memref<10000x128xf32, #tpu.memory_space<vmem>>, %arg1: memref<32x10112xf32, #tpu.memory_space<vmem>>, %arg2: memref<10000x128xf32, #tpu.memory_space<vmem>>, %arg3: memref<10112xf32, #tpu.memory_space<vmem>>) attributes {dimension_semantics = [], scalar_prefetch = 0 : i64, scratch_operands = 0 : i64, tpu.core_type = #tpu.core_type<tc>} {
    %get3A = arith.constant 0 : index
    %get3A_0 = arith.constant 0 : index
    %get3A_1 = vector.load %arg1[%get3A, %get3A_0] : memref<32x10112xf32, #tpu.memory_space<vmem>>, vector<32x10112xf32>
    %reduce_sum3A = arith.constant dense<0.000000e+00> : vector<10112xf32>
    %reduce_sum3A_2 = vector.multi_reduction <add>, %get3A_1, %reduce_sum3A [0] : vector<32x10112xf32> to vector<10112xf32>
    %max3A = arith.constant 1.000000e+00 : f32
    %max3A_3 = vector.broadcast %max3A : f32 to vector<10112xf32>
    %max3A_4 = arith.maximumf %reduce_sum3A_2, %max3A_3 : vector<10112xf32>
    %rsqrt3A = math.rsqrt %max3A_4 : vector<10112xf32>
    %swap3A = arith.constant 0 : index
    %swap3A_5 = vector.load %arg3[%swap3A] : memref<10112xf32, #tpu.memory_space<vmem>>, vector<10112xf32>
    tpu.vector_store %arg3[%swap3A], %rsqrt3A {strides = array<i32>} : memref<10112xf32, #tpu.memory_space<vmem>>, vector<10112xf32>,
    %get3A_6 = arith.constant 0 : index
    %get3A_7 = arith.constant 0 : index
    %get3A_8 = vector.load %arg0[%get3A_6, %get3A_7] : memref<10000x128xf32, #tpu.memory_space<vmem>>, vector<10000x128xf32>
    %slice3A = vector.extract_strided_slice %rsqrt3A {offsets = [0], sizes = [10000], strides = [1]} : vector<10112xf32> to vector<10000xf32>
    %broadcast_in_dim3A = vector.shape_cast %slice3A : vector<10000xf32> to vector<10000x1xf32>
    %mul3A = vector.broadcast %broadcast_in_dim3A : vector<10000x1xf32> to vector<10000x128xf32>
    %mul3A_9 = arith.mulf %get3A_8, %mul3A : vector<10000x128xf32>
    %swap3A_10 = arith.constant 0 : index
    %swap3A_11 = arith.constant 0 : index
    %swap3A_12 = vector.load %arg2[%swap3A_10, %swap3A_11] : memref<10000x128xf32, #tpu.memory_space<vmem>>, vector<10000x128xf32>
    tpu.vector_store %arg2[%swap3A_10, %swap3A_11], %mul3A_9 {strides = array<i32>} : memref<10000x128xf32, #tpu.memory_space<vmem>>, vector<10000x128xf32>,
    return
  }
}

module attributes {stable_mosaic.version = 14 : i64} {
  func.func @_post_body(%arg0: memref<2x10112x128xf32, #tpu.memory_space<vmem>>, %arg1: memref<10112xf32, #tpu.memory_space<vmem>>, %arg2: memref<128xf32, #tpu.memory_space<vmem>>, %arg3: memref<10000x128xf32, #tpu.memory_space<vmem>>) attributes {dimension_semantics = [], scalar_prefetch = 0 : i64, scratch_operands = 0 : i64, tpu.core_type = #tpu.core_type<tc>} {
    %get3A = arith.constant 0 : index
    %get3A_0 = arith.constant 0 : index
    %get3A_1 = arith.constant 0 : index
    %get3A_2 = vector.load %arg0[%get3A, %get3A_0, %get3A_1] : memref<2x10112x128xf32, #tpu.memory_space<vmem>>, vector<1x10000x128xf32>
    %get3A_3 = vector.shape_cast %get3A_2 : vector<1x10000x128xf32> to vector<10000x128xf32>
    %get3A_4 = arith.constant 1 : index
    %get3A_5 = arith.constant 0 : index
    %get3A_6 = arith.constant 0 : index
    %get3A_7 = vector.load %arg0[%get3A_4, %get3A_5, %get3A_6] : memref<2x10112x128xf32, #tpu.memory_space<vmem>>, vector<1x10000x128xf32>
    %get3A_8 = vector.shape_cast %get3A_7 : vector<1x10000x128xf32> to vector<10000x128xf32>
    %add3A = arith.addf %get3A_3, %get3A_8 : vector<10000x128xf32>
    %get3A_9 = arith.constant 0 : index
    %get3A_10 = vector.load %arg1[%get3A_9] : memref<10112xf32, #tpu.memory_space<vmem>>, vector<10112xf32>
    %slice3A = vector.extract_strided_slice %get3A_10 {offsets = [0], sizes = [10000], strides = [1]} : vector<10112xf32> to vector<10000xf32>
    %broadcast_in_dim3A = vector.shape_cast %slice3A : vector<10000xf32> to vector<10000x1xf32>
    %mul3A = vector.broadcast %broadcast_in_dim3A : vector<10000x1xf32> to vector<10000x128xf32>
    %mul3A_11 = arith.mulf %add3A, %mul3A : vector<10000x128xf32>
    %get3A_12 = arith.constant 0 : index
    %get3A_13 = vector.load %arg2[%get3A_12] : memref<128xf32, #tpu.memory_space<vmem>>, vector<128xf32>
    %broadcast_in_dim3A_14 = vector.shape_cast %get3A_13 : vector<128xf32> to vector<1x128xf32>
    %add3A_15 = vector.broadcast %broadcast_in_dim3A_14 : vector<1x128xf32> to vector<10000x128xf32>
    %add3A_16 = arith.addf %mul3A_11, %add3A_15 : vector<10000x128xf32>
    %swap3A = arith.constant 0 : index
    %swap3A_17 = arith.constant 0 : index
    %swap3A_18 = vector.load %arg3[%swap3A, %swap3A_17] : memref<10000x128xf32, #tpu.memory_space<vmem>>, vector<10000x128xf32>
    tpu.vector_store %arg3[%swap3A, %swap3A_17], %add3A_16 {strides = array<i32>} : memref<10000x128xf32, #tpu.memory_space<vmem>>, vector<10000x128xf32>,
    return
  }
}

</mosaic_0001>

<sc_bundles>
// kernel: kernel.10.cloned.1.call-start
scs
__scs_entry_jumppad:
0x0: {  	(pc) =	sbr.rel $0x88, $3  }
0x1: {  	(tag) =	ssettag $0x0;
	lr =	simm.s32 $0x1  }
0x2: {  	[smem:$0x3F9D] =	sst lr;
	_ =	strace $0xD0000000  }
0x3: {  	_ = 	snop  }
0x4: {  	_ = 	snop  }
0x5: {  	_ = 	snop  }
0x6: {  	_ = 	snop  }
0x7: {  	_ = 	snop  }
__scs_overlays_trampoline_lowered:
0x8: {  	[smem:$0x3FAC] =	sst s0  }
0x9: {  	[smem:$0x3FAD] =	sst s1  }
0xa: {  	[smem:$0x3FAE] =	sst s2  }
0xb: {  	[smem:$0x3FAF] =	sst s3  }
0xc: {  	[smem:$0x3FB0] =	sst s4  }
0xd: {  	[smem:$0x3FB1] =	sst s5  }
0xe: {  	[smem:$0x3FB2] =	sst s6  }
0xf: {  	[smem:$0x3FB3] =	sst s7  }
0x10: {  	[smem:$0x3FB4] =	sst s8  }
0x11: {  	[smem:$0x3FB5] =	sst s9;
	s0 =	simm.s32 @!p0 $0x0  }
0x12: {  	s1 =	sld [smem:$0x3F9B];
	s0 =	simm.s32 @p0 $0x1  }
0x13: {  	[smem:$0x3FB6] =	sst s0;
	s0 =	simm.s32 @!p1 $0x0  }
0x14: {  	s2 =	sld [smem:$0x3F9A];
	s0 =	simm.s32 @p1 $0x1  }
0x15: {  	[smem:$0x3FB7] =	sst s0;
	s0 =	simm.s32 @!p2 $0x0  }
0x16: {  	s3 =	sld [smem:$0x3FDB];
	s0 =	simm.s32 @p2 $0x1  }
0x17: {  	s4 =	simm.s32 $0x1BF5;
	[smem:$0x3FB9] =	sst s0  }
0x18: {  	s0 =	sld [smem:$0x3F9C];
	_ =	swait.ge [sflag:s4], $0x0  }
0x19: {  	s7 =	sld [smem:$0x3F9D]  }
0x1a: {  	s8 =	sadd.s32 $0xFFFFE003, lr  }
0x1b: {  	s9 =	sadd.s32 $0xFFFFFEF7, lr;
	s5 =	simm.s32 $0xFFFFFFFF;
	p2 =	slt.u32 s8, $0xFFFFF086  }
0x1c: {  	p1 =	slt.u32 s9, $0xF7A;
	s5 =	simm.s32 @!p2 $0x0  }
0x1d: {  	s5 =	simm.s32 @p1 $0x1;
	p0 =	seq.s32 s7, s2  }
0x1e: {  	s7 =	smul.u32 @!p0 $0xF7A, s2;
	p2 =	seq.s32 @!p0 s5, $0x0  }
0x1f: {  	s9 =	smul.u32 $0xF7A, s1;
	s8 =	simm.s32 @!p0 $0x1BF5;
	p2 =	por !p2, p0  }
0x20: {  	[sflag:s8] =	ssyncset.s32 @!p0 $0xFFFFF086;
	s6 =	sadd.s32 @!p0 s3, s7;
	s7 =	simm.s32 @!p0 $0x108  }
0x21: {  	s3 =	sadd.s32 s3, s9;
	s6 =	sadd.s32 @!p0 $0x88, s6;
	s7 =	simm.s32 @p2 $0x1082  }
0x22: {  	[simem:s7], [sflag:s8] =	dma.local @!p0 [hbm:s6], $0xF7A  }
0x23: {  	s9 =	sor.u32 $0xD0000000, s2;
	s6 =	simm.s32 $0x108;
	_ =	swait.ge @!p0 [sflag:s8], $0x0  }
0x24: {  	s3 =	sadd.s32 $0x88, s3;
	s6 =	simm.s32 @!p1 $0x1082;
	[sflag:s4] =	ssyncset.s32 $0xFFFFF086  }
0x25: {  	[simem:s6], [sflag:s4] =	dma.local [hbm:s3], $0xF7A  }
0x26: {  	[smem:$0x3F9D] =	sst s1;
	(tag) =	ssettag s2;
	_ =	strace s9  }
0x27: {  	s1 =	sld [smem:$0x3FAD]  }
0x28: {  	s2 =	sld [smem:$0x3FAE]  }
0x29: {  	s4 =	sld [smem:$0x3FB0]  }
0x2a: {  	p0 =	seq.s32 s5, $0x0;
	s5 =	sld [smem:$0x3FB1]  }
0x2b: {  	s6 =	sld [smem:$0x3FB2]  }
0x2c: {  	s7 =	sld [smem:$0x3FB3]  }
0x2d: {  	s3 =	simm.s32 $0x108;
	s8 =	sld [smem:$0x3FB4]  }
0x2e: {  	s3 =	simm.s32 @!p0 $0x1082;
	s9 =	sld [smem:$0x3FB5]  }
0x2f: {  	lr =	sadd.s32 s0, s3;
	s0 =	sld [smem:$0x3FAC]  }
0x30: {  	s3 =	sld [smem:$0x3FAF]  }
0x31: {  	[smem:$0x3FB8] =	sst s10  }
0x32: {  	s10 =	sld [smem:$0x3FB6];
	_ =	sdelay $0x3  }
0x33: {  	p0 =	seq.s32 s10, $0x1;
	s10 =	sld [smem:$0x3FB8];
	_ =	sdelay $0x3  }
0x34: {  	[smem:$0x3FB8] =	sst s10  }
0x35: {  	s10 =	sld [smem:$0x3FB7];
	_ =	sdelay $0x3  }
0x36: {  	p1 =	seq.s32 s10, $0x1;
	s10 =	sld [smem:$0x3FB8];
	_ =	sdelay $0x3  }
0x37: {  	[smem:$0x3FB8] =	sst s10  }
0x38: {  	s10 =	sld [smem:$0x3FB9]  }
0x39: {  	_ = 	snop;
	(pc) =	sbr.ind lr, $3  }
0x3a: {  	_ = 	snop  }
0x3b: {  	_ = 	snop  }
0x3c: {  	p2 =	seq.s32 s10, $0x1;
	s10 =	sld [smem:$0x3FB8]  }
0x3d: {  	_ =	shalt  }
0x3e: {  	_ =	shalt  }
0x3f: {  	_ =	shalt  }
0x40: {  	_ =	shalt  }
0x41: {  	_ =	shalt  }
0x42: {  	_ =	shalt  }
0x43: {  	_ =	shalt  }
0x44: {  	_ =	shalt  }
0x45: {  	_ =	shalt  }
0x46: {  	_ =	shalt  }
0x47: {  	_ =	shalt  }
0x48: {  	_ =	shalt  }
0x49: {  	_ =	shalt  }
0x4a: {  	_ =	shalt  }
0x4b: {  	_ =	shalt  }
0x4c: {  	_ =	shalt  }
0x4d: {  	_ =	shalt  }
0x4e: {  	_ =	shalt  }
0x4f: {  	_ =	shalt  }
0x50: {  	_ =	shalt  }
0x51: {  	_ =	shalt  }
0x52: {  	_ =	shalt  }
0x53: {  	_ =	shalt  }
0x54: {  	_ =	shalt  }
0x55: {  	_ =	shalt  }
0x56: {  	_ =	shalt  }
0x57: {  	_ =	shalt  }
0x58: {  	_ =	shalt  }
0x59: {  	_ =	shalt  }
0x5a: {  	_ =	shalt  }
0x5b: {  	_ =	shalt  }
0x5c: {  	_ =	shalt  }
0x5d: {  	_ =	shalt  }
0x5e: {  	_ =	shalt  }
0x5f: {  	_ =	shalt  }
0x60: {  	_ =	shalt  }
0x61: {  	_ =	shalt  }
0x62: {  	_ =	shalt  }
0x63: {  	_ =	shalt  }
0x64: {  	_ =	shalt  }
0x65: {  	_ =	shalt  }
0x66: {  	_ =	shalt  }
0x67: {  	_ =	shalt  }
0x68: {  	_ =	shalt  }
0x69: {  	_ =	shalt  }
0x6a: {  	_ =	shalt  }
0x6b: {  	_ =	shalt  }
0x6c: {  	_ =	shalt  }
0x6d: {  	_ =	shalt  }
0x6e: {  	_ =	shalt  }
0x6f: {  	_ =	shalt  }
0x70: {  	_ =	shalt  }
0x71: {  	_ =	shalt  }
0x72: {  	_ =	shalt  }
0x73: {  	_ =	shalt  }
0x74: {  	_ =	shalt  }
0x75: {  	_ =	shalt  }
0x76: {  	_ =	shalt  }
0x77: {  	_ =	shalt  }
0x78: {  	_ =	shalt  }
0x79: {  	_ =	shalt  }
0x7a: {  	_ =	shalt  }
0x7b: {  	_ =	shalt  }
0x7c: {  	_ =	shalt  }
0x7d: {  	_ =	shalt  }
0x7e: {  	_ =	shalt  }
0x7f: {  	_ =	shalt  }
0x80: {  	_ =	shalt  }
0x81: {  	_ =	shalt  }
0x82: {  	_ =	shalt  }
0x83: {  	_ =	shalt  }
0x84: {  	_ =	shalt  }
0x85: {  	_ =	shalt  }
0x86: {  	_ =	shalt  }
0x87: {  	_ =	shalt  }
.Lfunc_end0:
.L_simem_size_0:
called_computation.1_lowered:
.L_overlay_start_0:
0x88: {  	s2 =	sld [smem:$0x3FD9]  }
0x89: {  	s3 =	sld [smem:$0x3FFE];
	_ =	sdelay $0x1  }
0x8a: {  	s1 =	srdreg.scid  }
0x8b: {  	s0 =	sand.u32 $0x1, s1  }
0x8c: {  	s17 =	sshll.u32 s0, $0xA;
	s2 =	sadd.s32 s3, s2  }
0x8d: {  	s2 =	sadd.s32 s2, s17  }
0x8e: {  	[smem:$0x3FC4] =	sst s2  }
0x8f: {  	_ = 	snop  }
0x90: {  	s2 =	sld [smem:$0x3FD0];
	(tm) =	ssettm $0x1  }
0x91: {  	s18 =	sld [smem:$0x3FFB];
	_ =	sdelay $0x3  }
0x92: {  	_ =	strace s18  }
0x93: {  	s3 =	sld [smem:$0x3FFC];
	_ =	sdelay $0x3  }
0x94: {  	_ =	strace s3  }
0x95: {  	s3 =	sld [smem:$0x3FFD];
	_ =	sdelay $0x3  }
0x96: {  	_ =	strace s3  }
0x97: {  	_ =	strace $0x8FFFFFFF  }
0x98: {  	s19 =	sld [smem:$0x3FDB];
	_ =	sdelay $0x1  }
0x99: {  	s4 =	simm.s32 $_scs_section_size  }
0x9a: {  	s5 =	simm.s32 $_size__tile_overlayer_lowered;
	s6 =	simm.s32 $_tile_overlayer_lowered  }
0x9b: {  	s22 =	simm.s32 $0x1BFF;
	s21 =	sshll.u32 s6, $0x1;
	s3 =	sadd.s32 s4, s19  }
0x9c: {  	s7 =	simm.s32 $0x0;
	s20 =	sshll.u32 s5, $0x1;
	s5 =	sadd.s32 s21, s3  }
0x9d: {  	[timem:s7], [sflag:s22] =	dma.local [hbm:s5], s20  }
0x9e: {  	_ =	swait.ge [sflag:s22], s20  }
0x9f: {  	s4 =	ssub.s32 $0x0, s20;
	[sflag:s22] =	ssyncset.done $0x0  }
0xa0: {  	[sflag:s22] =	ssyncadd.s32 s4;
	_ =	sdelay $0x1  }
0xa1: {  	s23 =	simm.s32 $0x1B8B  }
0xa2: {  	_ =	swait.ge [sflag:s23], $0x1  }
0xa3: {  	[sflag:s23] =	ssyncset.done $0x0  }
0xa4: {  	s25 =	simm.s32 $0x1B8E;
	s24 =	sld [smem:$0x3FFE];
	[sflag:s23] =	ssyncadd.s32 $0xFFFFFFFF  }
0xa5: {  	s26 =	simm.s32 $execute0_lowered;
	[smem:$0x3FD2] =	sst s25  }
0xa6: {  	s5 =	sshll.u32 s26, $0x1;
	_ =	strace $0x80000049;
	[dreg:$0x1] =	wrdreg $0xFFFFFFFF  }
0xa7: {  	s28 =	simm.s32 $_size_execute0_lowered;
	s3 =	sadd.s32 s3, s5;
	[dreg:$0x0] =	wrdreg $0x0  }
0xa8: {  	s5 =	sshll.u32 s28, $0x1;
	[dreg:$0x2] =	wrdreg s3  }
0xa9: {  	[dreg:$0x3] =	wrdreg s5  }
0xaa: {  	[dreg:$0x4] =	wrdreg $0xC0  }
0xab: {  	_ =	task [dreg:s7], $0x5FFFF  }
0xac: {  	[dreg:$0x1] =	wrdreg $0xFFFFFFFF  }
0xad: {  	[dreg:$0x0] =	wrdreg $0x60  }
0xae: {  	[dreg:$0x2] =	wrdreg s2  }
0xaf: {  	[dreg:$0x3] =	wrdreg s24  }
0xb0: {  	[dreg:$0x4] =	wrdreg $0xA9000  }
0xb1: {  	[dreg:$0x5] =	wrdreg $0x9  }
0xb2: {  	_ =	task.clear_ibuf [dreg:s7], $0x6FFFF;
	_ =	strace $0x90000049  }
0xb3: {  	s29 =	simm.s32 $0x9;
	_ =	strace $0x8000004B  }
0xb4: {  	_ =	swait.ge [sflag:s29], $0x1  }
0xb5: {  	[sflag:s29] =	ssyncadd.s32 $0xFFFFFFFF  }
0xb6: {  	_ =	strace $0x9000004B  }
0xb7: {  	_ =	sfence  }
0xb8: {  	s30 =	sld [smem:$0x0];
	_ =	sdelay $0x2  }
0xb9: {  	s31 =	sshll.u32 s1, $0xD;
	s1 =	sshrl.u32 s1, $0x2  }
0xba: {  	s3 =	sand.u32 $0x4000, s31;
	s1 =	sadd.s32 s1, s30  }
0xbb: {  	s0 =	sor.u32 s3, s0;
	s1 =	sshll.u32 s1, $0x11  }
0xbc: {  	s0 =	sor.u32 s1, s0  }
0xbd: {  	s0 =	sadd.s32 $0x8F2B, s0  }
0xbe: {  	[sflag:s0] =	ssyncadd.remote.s32 $0x1  }
0xbf: {  	_ =	sfence.sel $0xFFFF  }
0xc0: {  	[dreg:$0x0] =	wrdreg $0xFFFFFFFF;
	(pc) =	sbr.abs _section_cstart, $3  }
0xc1: {  	[dreg:$0x1] =	wrdreg $0xFFFFFFFF  }
0xc2: {  	_ =	task.clear_ibuf [dreg:s7], $0x2FFFF;
	_ =	strace $0x9FFFFFFF  }
0xc3: {  	(tm) =	ssettm $0x7FFFFFFF  }
tec
execute0_lowered:
.L_overlay_start_1:
0x0: {  	(tag) =	ssettag $0x1  }
0x1: {  	s2 =	rddreg [dreg:$0x0]  }
0x2: {  	s0 =	srdreg.scid;
	s8 =	rddreg [dreg:$0x1]  }
0x3: {  	s6 =	stileid.u32;
	s4 =	rddreg [dreg:$0x2];
	s5 =	simm.s32 $0x0  }
0x4: {  	s28 =	simm.s32 $0x2;
	s29 =	simm.s32 $0x6900;
	s30 =	simm.s32 $0x4  }
0x5: {  	s31 =	simm.s32 $0x5;
	s0 =	sand.u32 $0x1, s0;
	s7 =	smul.u32 $0x13C00, s6  }
0x6: {  	[smem:$0x7FF] =	sst s5;
	s10 =	smul.u32 $0x4F000, s6;
	s1 =	sshll.u32 s0, $0x4  }
0x7: {  	s18 =	smul.u32 $0x13C000, s0;
	_ =	strace $0x8000004A;
	s0 =	ssub.s32 $0x2, s0  }
0x8: {  	s1 =	sor.u32 s6, s1;
	s6 =	sadd.s32 $0xB600, s8;
	s19 =	sshrl.u32 s10, $0x2  }
0x9: {  	s20 =	sshrl.u32 s0, $0x1;
	s3 =	smul.u32 $0x2800, s1;
	s1 =	sadd.s32 s7, s18  }
0xa: {  	s7 =	sadd.s32 s19, s4;
	s0 =	ssub.s32 s0, s20;
	s20 =	simm.s32 $0x2900  }
0xb: {  	s1 =	sshrl.u32 s1, $0x3;
	s21 =	sadd.s32 $0x4000, s7;
	s22 =	sadd.s32 $0x8000, s7  }
0xc: {  	s23 =	sadd.s32 $0xC000, s7;
	s24 =	sadd.s32 $0x10000, s7;
	[dreg:$0x4] =	wrdreg s21  }
0xd: {  	s19 =	smax.u32 s0, $0x1;
	s0 =	simm.s32 $0x0;
	[dreg:$0x5] =	wrdreg s22  }
0xe: {  	s9 =	sshrl.u32 s3, $0x3;
	s1 =	sadd.s32 s1, s8;
	[dreg:$0x6] =	wrdreg s23  }
0xf: {  	[dreg:$0x7] =	wrdreg s24;
	s21 =	simm.s32 $0x7;
	s22 =	simm.s32 $0x2800  }
0x10: {  	s23 =	simm.s32 $0x2880;
	s24 =	simm.s32 $0x1;
	s13 =	sadd.s32 s9, s8  }
0x11: {  	s11 =	sadd.s32 s6, s9;
	s18 =	sadd.s32 $0x15600, s1;
	s1 =	simm.s32 $0x6  }
0x12: {  	s25 =	sadd.s32 $0x1600, s13;
	s26 =	sadd.s32 $0x10, s11;
	s15 =	sadd.s32 $0x20, s11  }
0x13: {  	s16 =	sadd.s32 $0x30, s11;
	s17 =	sadd.s32 $0x4E0, s11;
	[dreg:$0x8] =	wrdreg s25  }
0x14: {  	v0 =	vimm.f32 $0.0e+00;
	[dreg:$0x9] =	wrdreg s26;
	s25 =	simm.s32 $0x80;
	s26 =	simm.s32 $0x3  }
.LBB2_1:
0x15: {  	s8 =	simm.s32 $0x0;
	s9 =	simm.s32 $0x200  }
.LBB2_2:
0x16: {  	p0 =	sne.s32 s9, $0xFE00;
	[tilespmem:s8+$0x2970] =	vst v0  }
0x17: {  	[tilespmem:s8+$0x2900] =	vst v0  }
0x18: {  	[tilespmem:s8+$0x2910] =	vst v0  }
.Ltmp0:
0x19: {  	[tilespmem:s8+$0x2920] =	vst v0;
	(pc) =	sbr.rel @p0 .LBB2_2-.Ltmp0, $4  }
0x1a: {  	[tilespmem:s8+$0x2930] =	vst v0  }
0x1b: {  	[tilespmem:s8+$0x2940] =	vst v0  }
0x1c: {  	[tilespmem:s8+$0x2950] =	vst v0  }
0x1d: {  	[tilespmem:s8+$0x2960] =	vst v0;
	s8 =	sshra.s32 s9, $0x2;
	s9 =	sadd.s32 $0x200, s9  }
0x1e: {  	[tilespmem:s8+$0x2970] =	vst v0  }
0x1f: {  	[tilespmem:s8+$0x2900] =	vst v0  }
0x20: {  	[tilespmem:s8+$0x2910] =	vst v0  }
0x21: {  	[tilespmem:s8+$0x2920] =	vst v0  }
0x22: {  	[tilespmem:s8+$0x2930] =	vst v0  }
0x23: {  	[tilespmem:s8+$0x2940] =	vst v0  }
0x24: {  	[tilespmem:s8+$0x2950] =	vst v0  }
0x25: {  	[tilespmem:s8+$0x2960] =	vst v0  }
0x26: {  	[spmem:s7] =	stream.linear.scatter [tilespmem:s20], [sflag:$0x7], $0x4000, $0x38;
	[tilespmem:$0x1E500] =	vst v63  }
0x27: {  	_ =	swait.ge [sflag:s21], $0x4000  }
0x28: {  	[sflag:s21] =	ssyncset.done $0x0  }
0x29: {  	s9 =	rddreg [dreg:$0x4];
	[sflag:s21] =	ssyncadd.s32 $0xFFFFC000  }
0x2a: {  	[spmem:s9] =	stream.linear.scatter [tilespmem:s20], [sflag:$0x7], $0x4000, $0x38;
	[tilespmem:$0x1E500] =	vst v63  }
0x2b: {  	_ =	swait.ge [sflag:s21], $0x4000  }
0x2c: {  	[sflag:s21] =	ssyncset.done $0x0  }
0x2d: {  	s10 =	rddreg [dreg:$0x5];
	[sflag:s21] =	ssyncadd.s32 $0xFFFFC000  }
0x2e: {  	[spmem:s10] =	stream.linear.scatter [tilespmem:s20], [sflag:$0x7], $0x4000, $0x38;
	[tilespmem:$0x1E500] =	vst v63  }
0x2f: {  	_ =	swait.ge [sflag:s21], $0x4000  }
0x30: {  	[sflag:s21] =	ssyncset.done $0x0  }
0x31: {  	s12 =	rddreg [dreg:$0x6];
	[sflag:s21] =	ssyncadd.s32 $0xFFFFC000  }
0x32: {  	[spmem:s12] =	stream.linear.scatter [tilespmem:s20], [sflag:$0x7], $0x4000, $0x38;
	[tilespmem:$0x1E500] =	vst v63  }
0x33: {  	_ =	swait.ge [sflag:s21], $0x4000  }
0x34: {  	[sflag:s21] =	ssyncset.done $0x0  }
0x35: {  	s13 =	rddreg [dreg:$0x7];
	[sflag:s21] =	ssyncadd.s32 $0xFFFFC000  }
0x36: {  	[spmem:s13] =	stream.linear.scatter [tilespmem:s20], [sflag:$0x7], $0x3C00, $0x38;
	[tilespmem:$0x1E500] =	vst v63  }
0x37: {  	_ =	swait.ge [sflag:s21], $0x3C00  }
0x38: {  	[sflag:s21] =	ssyncset.done $0x0  }
0x39: {  	s14 =	rddreg [dreg:$0x8];
	[sflag:s21] =	ssyncadd.s32 $0xFFFFC400  }
0x3a: {  	[tilespmem:s5], [sflag:$0x7] =	stream.linear.gather [hbm4b:s14+s5], $0x2780, $0x38;
	[tilespmem:$0x1E500] =	vst v63  }
0x3b: {  	_ =	swait.ge [sflag:s21], $0x2780  }
0x3c: {  	[sflag:s21] =	ssyncset.done $0x0  }
0x3d: {  	[sflag:s21] =	ssyncadd.s32 $0xFFFFD880  }
0x3e: {  	[bflag:$0x0] =	sbarrier.arrive $0xFFFF  }
0x3f: {  	[tilespmem:s22], [sflag:$0x1] =	stream.linear.gather [hbm4b:s11+s5], $0x80, $0x38;
	[tilespmem:$0x1E500] =	vst v63  }
0x40: {  	s9 =	rddreg [dreg:$0x9]  }
0x41: {  	[tilespmem:s23], [sflag:$0x2] =	stream.linear.gather [hbm4b:s9+s5], $0x80, $0x38;
	[tilespmem:$0x1E500] =	vst v63  }
0x42: {  	_ =	swait.ge [sflag:s24], $0x80  }
0x43: {  	[sflag:s24] =	ssyncset.done $0x0  }
0x44: {  	[sflag:s24] =	ssyncadd.s32 $0xFFFFFF80  }
0x45: {  	[tilespmem:s20], [sflag:$0x3] =	stream.indirect.gather [hbm4b:s2+s25], $0x80, s22, s25, $0xb8;
	[tilespmem:$0x1E500] =	vst v63  }
0x46: {  	_ =	swait.ge [sflag:s26], $0x4000  }
0x47: {  	[sflag:s26] =	ssyncset.done $0x0  }
0x48: {  	[sflag:s26] =	ssyncadd.s32 $0xFFFFC000  }
0x49: {  	[tilespmem:s22], [sflag:$0x1] =	stream.linear.gather [hbm4b:s15+s5], $0x80, $0x38;
	[tilespmem:$0x1E500] =	vst v63  }
0x4a: {  	_ = 	snop  }
0x4b: {  	[spmem:s4] =	stream.indirect.scatter.add.f32 [tilespmem:s20], [sflag:$0x5], $0x80, s5, s25, $0xb8;
	[tilespmem:$0x1E500] =	vst v63  }
0x4c: {  	_ =	swait.ge [sflag:s28], $0x80  }
0x4d: {  	[sflag:s28] =	ssyncset.done $0x0  }
0x4e: {  	[sflag:s28] =	ssyncadd.s32 $0xFFFFFF80  }
0x4f: {  	[tilespmem:s29], [sflag:$0x4] =	stream.indirect.gather [hbm4b:s2+s25], $0x80, s23, s25, $0xb8;
	[tilespmem:$0x1E500] =	vst v63  }
0x50: {  	_ =	swait.ge [sflag:s30], $0x4000  }
0x51: {  	[sflag:s30] =	ssyncset.done $0x0  }
0x52: {  	[sflag:s30] =	ssyncadd.s32 $0xFFFFC000  }
0x53: {  	[tilespmem:s23], [sflag:$0x2] =	stream.linear.gather [hbm4b:s16+s5], $0x80, $0x38;
	[tilespmem:$0x1E500] =	vst v63  }
0x54: {  	_ = 	snop  }
0x55: {  	[spmem:s4] =	stream.indirect.scatter.add.f32 [tilespmem:s29], [sflag:$0x6], $0x80, s25, s25, $0xb8;
	[tilespmem:$0x1E500] =	vst v63  }
0x56: {  	_ =	swait.ge [sflag:s24], $0x80  }
0x57: {  	[sflag:s24] =	ssyncset.done $0x0  }
0x58: {  	[sflag:s24] =	ssyncadd.s32 $0xFFFFFF80  }
0x59: {  	s10 =	simm.s32 $0x200;
	_ =	swait.ge [sflag:s31], $0x4000  }
0x5a: {  	s9 =	sand.u32 $0x7C00, s10;
	[sflag:s31] =	ssyncset.done $0x0  }
0x5b: {  	s8 =	sand.u32 $0x300, s10;
	s9 =	sadd.s32 s3, s9;
	[sflag:s31] =	ssyncadd.s32 $0xFFFFC000  }
0x5c: {  	[tilespmem:s20], [sflag:$0x3] =	stream.indirect.gather [hbm4b:s2+s25], $0x80, s22, s25, $0xb8;
	[tilespmem:$0x1E500] =	vst v63  }
0x5d: {  	s8 =	sor.u32 s8, s9;
	_ =	swait.ge [sflag:s26], $0x4000  }
0x5e: {  	s8 =	sshrl.u32 s8, $0x3;
	[sflag:s26] =	ssyncset.done $0x0  }
0x5f: {  	s8 =	sadd.s32 s6, s8;
	[sflag:s26] =	ssyncadd.s32 $0xFFFFC000  }
0x60: {  	[tilespmem:s22], [sflag:$0x1] =	stream.linear.gather [hbm4b:s8+s5], $0x80, $0x38;
	[tilespmem:$0x1E500] =	vst v63  }
0x61: {  	s12 =	simm.s32 $0x100  }
0x62: {  	[spmem:s4] =	stream.indirect.scatter.add.f32 [tilespmem:s20], [sflag:$0x5], $0x80, s12, s25, $0xb8;
	[tilespmem:$0x1E500] =	vst v63  }
0x63: {  	_ =	swait.ge [sflag:s28], $0x80  }
0x64: {  	[sflag:s28] =	ssyncset.done $0x0  }
0x65: {  	[sflag:s28] =	ssyncadd.s32 $0xFFFFFF80  }
0x66: {  	s13 =	simm.s32 $0x280;
	_ =	swait.ge [sflag:s1], $0x4000  }
0x67: {  	s14 =	sand.u32 $0x7C00, s13;
	[sflag:s1] =	ssyncset.done $0x0  }
0x68: {  	s9 =	sadd.s32 s3, s14;
	s8 =	sand.u32 $0x380, s13;
	[sflag:s1] =	ssyncadd.s32 $0xFFFFC000  }
0x69: {  	[tilespmem:s29], [sflag:$0x4] =	stream.indirect.gather [hbm4b:s2+s25], $0x80, s23, s25, $0xb8;
	[tilespmem:$0x1E500] =	vst v63  }
0x6a: {  	s8 =	sor.u32 s8, s9;
	_ =	swait.ge [sflag:s30], $0x4000  }
0x6b: {  	s8 =	sshrl.u32 s8, $0x3;
	[sflag:s30] =	ssyncset.done $0x0  }
0x6c: {  	s8 =	sadd.s32 s6, s8;
	[sflag:s30] =	ssyncadd.s32 $0xFFFFC000  }
0x6d: {  	[tilespmem:s23], [sflag:$0x2] =	stream.linear.gather [hbm4b:s8+s5], $0x80, $0x38;
	[tilespmem:$0x1E500] =	vst v63  }
0x6e: {  	s10 =	simm.s32 $0x180;
	s9 =	simm.s32 $0x380;
	s8 =	simm.s32 $0x180  }
.LBB2_4:
0x6f: {  	p0 =	sne.s32 s9, $0x2680  }
0x70: {  	s8 =	sadd.s32 $0x100, s8;
	s12 =	smov.u32 s9;
	s9 =	sadd.s32 $0x100, s9  }
0x71: {  	[spmem:s4] =	stream.indirect.scatter.add.f32 [tilespmem:s29], [sflag:$0x6], $0x80, s10, s25, $0xb8;
	[tilespmem:$0x1E500] =	vst v63  }
0x72: {  	s10 =	smov.u32 s8;
	_ =	swait.ge [sflag:s24], $0x80  }
0x73: {  	[sflag:s24] =	ssyncset.done $0x0  }
0x74: {  	[sflag:s24] =	ssyncadd.s32 $0xFFFFFF80  }
0x75: {  	_ =	swait.ge [sflag:s31], $0x4000  }
0x76: {  	s13 =	sadd.s32 $0xFFFFFF80, s12;
	[sflag:s31] =	ssyncset.done $0x0  }
0x77: {  	s14 =	sand.u32 $0x7C00, s13;
	s13 =	sand.u32 $0x300, s13;
	[sflag:s31] =	ssyncadd.s32 $0xFFFFC000  }
0x78: {  	[tilespmem:s20], [sflag:$0x3] =	stream.indirect.gather [hbm4b:s2+s25], $0x80, s22, s25, $0xb8;
	[tilespmem:$0x1E500] =	vst v63  }
0x79: {  	s14 =	sadd.s32 s3, s14;
	_ =	swait.ge [sflag:s26], $0x4000  }
0x7a: {  	s13 =	sor.u32 s13, s14;
	[sflag:s26] =	ssyncset.done $0x0  }
0x7b: {  	s13 =	sshrl.u32 s13, $0x3;
	[sflag:s26] =	ssyncadd.s32 $0xFFFFC000  }
0x7c: {  	s14 =	sadd.s32 $0xFFFFFF80, s8;
	s13 =	sadd.s32 s6, s13  }
0x7d: {  	[tilespmem:s22], [sflag:$0x1] =	stream.linear.gather [hbm4b:s13+s5], $0x80, $0x38;
	[tilespmem:$0x1E500] =	vst v63  }
0x7e: {  	_ = 	snop  }
0x7f: {  	[spmem:s4] =	stream.indirect.scatter.add.f32 [tilespmem:s20], [sflag:$0x5], $0x80, s14, s25, $0xb8;
	[tilespmem:$0x1E500] =	vst v63  }
0x80: {  	_ =	swait.ge [sflag:s28], $0x80  }
0x81: {  	[sflag:s28] =	ssyncset.done $0x0  }
0x82: {  	[sflag:s28] =	ssyncadd.s32 $0xFFFFFF80  }
0x83: {  	_ =	swait.ge [sflag:s1], $0x4000  }
0x84: {  	s13 =	sand.u32 $0x7C00, s12;
	[sflag:s1] =	ssyncset.done $0x0  }
0x85: {  	s12 =	sand.u32 $0x380, s12;
	s13 =	sadd.s32 s3, s13;
	[sflag:s1] =	ssyncadd.s32 $0xFFFFC000  }
0x86: {  	[tilespmem:s29], [sflag:$0x4] =	stream.indirect.gather [hbm4b:s2+s25], $0x80, s23, s25, $0xb8;
	[tilespmem:$0x1E500] =	vst v63  }
.Ltmp1:
0x87: {  	_ = 	snop;
	(pc) =	sbr.rel @p0 .LBB2_4-.Ltmp1, $4  }
0x88: {  	s12 =	sor.u32 s12, s13;
	_ =	swait.ge [sflag:s30], $0x4000  }
0x89: {  	s12 =	sshrl.u32 s12, $0x3;
	[sflag:s30] =	ssyncset.done $0x0  }
0x8a: {  	s12 =	sadd.s32 s6, s12;
	[sflag:s30] =	ssyncadd.s32 $0xFFFFC000  }
0x8b: {  	[tilespmem:s23], [sflag:$0x2] =	stream.linear.gather [hbm4b:s12+s5], $0x80, $0x38;
	[tilespmem:$0x1E500] =	vst v63  }
0x8c: {  	[spmem:s4] =	stream.indirect.scatter.add.f32 [tilespmem:s29], [sflag:$0x6], $0x80, s10, s25, $0xb8;
	[tilespmem:$0x1E500] =	vst v63  }
0x8d: {  	_ =	swait.ge [sflag:s24], $0x80  }
0x8e: {  	[sflag:s24] =	ssyncset.done $0x0  }
0x8f: {  	[sflag:s24] =	ssyncadd.s32 $0xFFFFFF80  }
0x90: {  	_ =	swait.ge [sflag:s31], $0x4000  }
0x91: {  	[sflag:s31] =	ssyncset.done $0x0  }
0x92: {  	[sflag:s31] =	ssyncadd.s32 $0xFFFFC000  }
0x93: {  	[tilespmem:s20], [sflag:$0x3] =	stream.indirect.gather [hbm4b:s2+s25], $0x80, s22, s25, $0xb8;
	[tilespmem:$0x1E500] =	vst v63  }
0x94: {  	_ =	swait.ge [sflag:s26], $0x4000  }
0x95: {  	[sflag:s26] =	ssyncset.done $0x0  }
0x96: {  	[sflag:s26] =	ssyncadd.s32 $0xFFFFC000  }
0x97: {  	[tilespmem:s22], [sflag:$0x1] =	stream.linear.gather [hbm4b:s17+s5], $0x80, $0x38;
	[tilespmem:$0x1E500] =	vst v63  }
0x98: {  	s8 =	simm.s32 $0x2600  }
0x99: {  	[spmem:s4] =	stream.indirect.scatter.add.f32 [tilespmem:s20], [sflag:$0x5], $0x80, s8, s25, $0xb8;
	[tilespmem:$0x1E500] =	vst v63  }
0x9a: {  	_ =	swait.ge [sflag:s28], $0x80  }
0x9b: {  	[sflag:s28] =	ssyncset.done $0x0  }
0x9c: {  	[sflag:s28] =	ssyncadd.s32 $0xFFFFFF80  }
0x9d: {  	_ =	swait.ge [sflag:s1], $0x4000  }
0x9e: {  	[sflag:s1] =	ssyncset.done $0x0  }
0x9f: {  	[sflag:s1] =	ssyncadd.s32 $0xFFFFC000  }
0xa0: {  	[tilespmem:s29], [sflag:$0x4] =	stream.indirect.gather [hbm4b:s2+s25], $0x80, s23, s25, $0xb8;
	[tilespmem:$0x1E500] =	vst v63  }
0xa1: {  	_ =	swait.ge [sflag:s30], $0x4000  }
0xa2: {  	[sflag:s30] =	ssyncset.done $0x0  }
0xa3: {  	s12 =	simm.s32 $0x2680;
	[sflag:s30] =	ssyncadd.s32 $0xFFFFC000  }
0xa4: {  	[spmem:s4] =	stream.indirect.scatter.add.f32 [tilespmem:s29], [sflag:$0x6], $0x80, s12, s25, $0xb8;
	[tilespmem:$0x1E500] =	vst v63  }
0xa5: {  	_ =	swait.ge [sflag:s24], $0x80  }
0xa6: {  	[sflag:s24] =	ssyncset.done $0x0  }
0xa7: {  	[sflag:s24] =	ssyncadd.s32 $0xFFFFFF80  }
0xa8: {  	_ =	swait.ge [sflag:s31], $0x4000  }
0xa9: {  	[sflag:s31] =	ssyncset.done $0x0  }
0xaa: {  	[sflag:s31] =	ssyncadd.s32 $0xFFFFC000  }
0xab: {  	[tilespmem:s20], [sflag:$0x3] =	stream.indirect.gather [hbm4b:s2+s25], $0x80, s22, s25, $0xb8;
	[tilespmem:$0x1E500] =	vst v63  }
0xac: {  	_ =	swait.ge [sflag:s26], $0x4000  }
0xad: {  	[sflag:s26] =	ssyncset.done $0x0  }
0xae: {  	s13 =	simm.s32 $0x2700;
	[sflag:s26] =	ssyncadd.s32 $0xFFFFC000  }
0xaf: {  	[spmem:s4] =	stream.indirect.scatter.add.f32 [tilespmem:s20], [sflag:$0x5], $0x80, s13, s25, $0xb8;
	[tilespmem:$0x1E500] =	vst v63  }
0xb0: {  	_ =	swait.ge [sflag:s1], $0x4000  }
0xb1: {  	[sflag:s1] =	ssyncset.done $0x0  }
0xb2: {  	[sflag:s1] =	ssyncadd.s32 $0xFFFFC000  }
0xb3: {  	s14 =	stileid.u32;
	_ =	swait.ge [sflag:s31], $0x4000  }
0xb4: {  	s9 =	sshrl.u32 s7, $0x3;
	s0 =	sadd.s32 $0x1, s0;
	[sflag:s31] =	ssyncset.done $0x0  }
0xb5: {  	p0 =	sne.s32 s0, s19;
	s8 =	sshll.u32 s14, $0x6;
	[sflag:s31] =	ssyncadd.s32 $0xFFFFC000  }
.Ltmp2:
0xb6: {  	s8 =	sor.u32 $0x1C07, s8;
	[bflag:$0x0] =	sbarrier.arrive $0xFFFF;
	(pc) =	sbr.rel @p0 .LBB2_1-.Ltmp2, $4  }
0xb7: {  	[hbm:s18], [sflag:s8] =	dma.local [spmem:s9], $0x2780  }
0xb8: {  	_ =	swait.ge [sflag:s21], $0x2780  }
0xb9: {  	[sflag:s21] =	ssyncset.done $0x0  }
0xba: {  	[sflag:s21] =	ssyncadd.s32 $0xFFFFD880  }
0xbb: {  	_ =	sfence.sel $0x180000  }
0xbc: {  	[bflag:$0x0] =	sbarrier.arrive $0xFFFF  }
0xbd: {  	_ =	strace $0x9000004A  }
0xbe: {  	s0 =	stileid.u32;
	[bflag:$0x2] =	sbarrier.arrive $0xFFFF  }
0xbf: {  	p0 =	sne.s32 s0, $0x0;
	s0 =	rddreg [dreg:$0x3]  }
0xc0: {  	s0 =	sadd.s32 @!p0 $0x100000, s0  }
0xc1: {  	[sflag:s0] =	ssyncadd.tile.s32 @!p0 $0x1;
	_ =	shalt  }
.Lfunc_end2:
_tile_overlayer_lowered:
.L_overlay_start_2:
0xc2: {  	(tag) =	ssettag $0x2  }
0xc3: {  	s0 =	rddreg [dreg:$0x0];
	s2 =	stileid.u32  }
0xc4: {  	s1 =	rddreg [dreg:$0x1];
	p0 =	sne.s32 s2, $0x0  }
0xc5: {  	s3 =	rddreg [dreg:$0x2];
	[bflag:$0x3] =	sbarrier.arrive $0xFFFF;
	s2 =	simm.s32 @!p0 $0x1C07  }
0xc6: {  	[timem:s3], [sflag:s2] =	dma.local @!p0 [hbm:s0], s1  }
0xc7: {  	s0 =	simm.s32 @!p0 $0x7  }
0xc8: {  	_ =	swait.ge @!p0 [sflag:s0], s1  }
0xc9: {  	s1 =	ssub.s32 @!p0 $0x0, s1;
	[sflag:s0] =	ssyncset.done @!p0 $0x0  }
0xca: {  	[sflag:s0] =	ssyncadd.s32 @!p0 s1  }
0xcb: {  	[bflag:$0x3] =	sbarrier.arrive $0xFFFF  }
0xcc: {  	_ =	shalt  }

// kernel: kernel.7.cloned.1.call-start
scs
__scs_entry_jumppad:
0x0: {  	(pc) =	sbr.rel $0x88, $3  }
0x1: {  	(tag) =	ssettag $0x0;
	lr =	simm.s32 $0x1  }
0x2: {  	[smem:$0x3F9D] =	sst lr;
	_ =	strace $0xD0000000  }
0x3: {  	_ = 	snop  }
0x4: {  	_ = 	snop  }
0x5: {  	_ = 	snop  }
0x6: {  	_ = 	snop  }
0x7: {  	_ = 	snop  }
__scs_overlays_trampoline_lowered:
0x8: {  	[smem:$0x3FAC] =	sst s0  }
0x9: {  	[smem:$0x3FAD] =	sst s1  }
0xa: {  	[smem:$0x3FAE] =	sst s2  }
0xb: {  	[smem:$0x3FAF] =	sst s3  }
0xc: {  	[smem:$0x3FB0] =	sst s4  }
0xd: {  	[smem:$0x3FB1] =	sst s5  }
0xe: {  	[smem:$0x3FB2] =	sst s6  }
0xf: {  	[smem:$0x3FB3] =	sst s7  }
0x10: {  	[smem:$0x3FB4] =	sst s8  }
0x11: {  	[smem:$0x3FB5] =	sst s9;
	s0 =	simm.s32 @!p0 $0x0  }
0x12: {  	s1 =	sld [smem:$0x3F9B];
	s0 =	simm.s32 @p0 $0x1  }
0x13: {  	[smem:$0x3FB6] =	sst s0;
	s0 =	simm.s32 @!p1 $0x0  }
0x14: {  	s2 =	sld [smem:$0x3F9A];
	s0 =	simm.s32 @p1 $0x1  }
0x15: {  	[smem:$0x3FB7] =	sst s0;
	s0 =	simm.s32 @!p2 $0x0  }
0x16: {  	s3 =	sld [smem:$0x3FDB];
	s0 =	simm.s32 @p2 $0x1  }
0x17: {  	s4 =	simm.s32 $0x1BF5;
	[smem:$0x3FB9] =	sst s0  }
0x18: {  	s0 =	sld [smem:$0x3F9C];
	_ =	swait.ge [sflag:s4], $0x0  }
0x19: {  	s7 =	sld [smem:$0x3F9D]  }
0x1a: {  	s8 =	sadd.s32 $0xFFFFE003, lr  }
0x1b: {  	s9 =	sadd.s32 $0xFFFFFEF7, lr;
	s5 =	simm.s32 $0xFFFFFFFF;
	p2 =	slt.u32 s8, $0xFFFFF086  }
0x1c: {  	p1 =	slt.u32 s9, $0xF7A;
	s5 =	simm.s32 @!p2 $0x0  }
0x1d: {  	s5 =	simm.s32 @p1 $0x1;
	p0 =	seq.s32 s7, s2  }
0x1e: {  	s7 =	smul.u32 @!p0 $0xF7A, s2;
	p2 =	seq.s32 @!p0 s5, $0x0  }
0x1f: {  	s9 =	smul.u32 $0xF7A, s1;
	s8 =	simm.s32 @!p0 $0x1BF5;
	p2 =	por !p2, p0  }
0x20: {  	[sflag:s8] =	ssyncset.s32 @!p0 $0xFFFFF086;
	s6 =	sadd.s32 @!p0 s3, s7;
	s7 =	simm.s32 @!p0 $0x108  }
0x21: {  	s3 =	sadd.s32 s3, s9;
	s6 =	sadd.s32 @!p0 $0x88, s6;
	s7 =	simm.s32 @p2 $0x1082  }
0x22: {  	[simem:s7], [sflag:s8] =	dma.local @!p0 [hbm:s6], $0xF7A  }
0x23: {  	s9 =	sor.u32 $0xD0000000, s2;
	s6 =	simm.s32 $0x108;
	_ =	swait.ge @!p0 [sflag:s8], $0x0  }
0x24: {  	s3 =	sadd.s32 $0x88, s3;
	s6 =	simm.s32 @!p1 $0x1082;
	[sflag:s4] =	ssyncset.s32 $0xFFFFF086  }
0x25: {  	[simem:s6], [sflag:s4] =	dma.local [hbm:s3], $0xF7A  }
0x26: {  	[smem:$0x3F9D] =	sst s1;
	(tag) =	ssettag s2;
	_ =	strace s9  }
0x27: {  	s1 =	sld [smem:$0x3FAD]  }
0x28: {  	s2 =	sld [smem:$0x3FAE]  }
0x29: {  	s4 =	sld [smem:$0x3FB0]  }
0x2a: {  	p0 =	seq.s32 s5, $0x0;
	s5 =	sld [smem:$0x3FB1]  }
0x2b: {  	s6 =	sld [smem:$0x3FB2]  }
0x2c: {  	s7 =	sld [smem:$0x3FB3]  }
0x2d: {  	s3 =	simm.s32 $0x108;
	s8 =	sld [smem:$0x3FB4]  }
0x2e: {  	s3 =	simm.s32 @!p0 $0x1082;
	s9 =	sld [smem:$0x3FB5]  }
0x2f: {  	lr =	sadd.s32 s0, s3;
	s0 =	sld [smem:$0x3FAC]  }
0x30: {  	s3 =	sld [smem:$0x3FAF]  }
0x31: {  	[smem:$0x3FB8] =	sst s10  }
0x32: {  	s10 =	sld [smem:$0x3FB6];
	_ =	sdelay $0x3  }
0x33: {  	p0 =	seq.s32 s10, $0x1;
	s10 =	sld [smem:$0x3FB8];
	_ =	sdelay $0x3  }
0x34: {  	[smem:$0x3FB8] =	sst s10  }
0x35: {  	s10 =	sld [smem:$0x3FB7];
	_ =	sdelay $0x3  }
0x36: {  	p1 =	seq.s32 s10, $0x1;
	s10 =	sld [smem:$0x3FB8];
	_ =	sdelay $0x3  }
0x37: {  	[smem:$0x3FB8] =	sst s10  }
0x38: {  	s10 =	sld [smem:$0x3FB9]  }
0x39: {  	_ = 	snop;
	(pc) =	sbr.ind lr, $3  }
0x3a: {  	_ = 	snop  }
0x3b: {  	_ = 	snop  }
0x3c: {  	p2 =	seq.s32 s10, $0x1;
	s10 =	sld [smem:$0x3FB8]  }
0x3d: {  	_ =	shalt  }
0x3e: {  	_ =	shalt  }
0x3f: {  	_ =	shalt  }
0x40: {  	_ =	shalt  }
0x41: {  	_ =	shalt  }
0x42: {  	_ =	shalt  }
0x43: {  	_ =	shalt  }
0x44: {  	_ =	shalt  }
0x45: {  	_ =	shalt  }
0x46: {  	_ =	shalt  }
0x47: {  	_ =	shalt  }
0x48: {  	_ =	shalt  }
0x49: {  	_ =	shalt  }
0x4a: {  	_ =	shalt  }
0x4b: {  	_ =	shalt  }
0x4c: {  	_ =	shalt  }
0x4d: {  	_ =	shalt  }
0x4e: {  	_ =	shalt  }
0x4f: {  	_ =	shalt  }
0x50: {  	_ =	shalt  }
0x51: {  	_ =	shalt  }
0x52: {  	_ =	shalt  }
0x53: {  	_ =	shalt  }
0x54: {  	_ =	shalt  }
0x55: {  	_ =	shalt  }
0x56: {  	_ =	shalt  }
0x57: {  	_ =	shalt  }
0x58: {  	_ =	shalt  }
0x59: {  	_ =	shalt  }
0x5a: {  	_ =	shalt  }
0x5b: {  	_ =	shalt  }
0x5c: {  	_ =	shalt  }
0x5d: {  	_ =	shalt  }
0x5e: {  	_ =	shalt  }
0x5f: {  	_ =	shalt  }
0x60: {  	_ =	shalt  }
0x61: {  	_ =	shalt  }
0x62: {  	_ =	shalt  }
0x63: {  	_ =	shalt  }
0x64: {  	_ =	shalt  }
0x65: {  	_ =	shalt  }
0x66: {  	_ =	shalt  }
0x67: {  	_ =	shalt  }
0x68: {  	_ =	shalt  }
0x69: {  	_ =	shalt  }
0x6a: {  	_ =	shalt  }
0x6b: {  	_ =	shalt  }
0x6c: {  	_ =	shalt  }
0x6d: {  	_ =	shalt  }
0x6e: {  	_ =	shalt  }
0x6f: {  	_ =	shalt  }
0x70: {  	_ =	shalt  }
0x71: {  	_ =	shalt  }
0x72: {  	_ =	shalt  }
0x73: {  	_ =	shalt  }
0x74: {  	_ =	shalt  }
0x75: {  	_ =	shalt  }
0x76: {  	_ =	shalt  }
0x77: {  	_ =	shalt  }
0x78: {  	_ =	shalt  }
0x79: {  	_ =	shalt  }
0x7a: {  	_ =	shalt  }
0x7b: {  	_ =	shalt  }
0x7c: {  	_ =	shalt  }
0x7d: {  	_ =	shalt  }
0x7e: {  	_ =	shalt  }
0x7f: {  	_ =	shalt  }
0x80: {  	_ =	shalt  }
0x81: {  	_ =	shalt  }
0x82: {  	_ =	shalt  }
0x83: {  	_ =	shalt  }
0x84: {  	_ =	shalt  }
0x85: {  	_ =	shalt  }
0x86: {  	_ =	shalt  }
0x87: {  	_ =	shalt  }
.Lfunc_end0:
.L_simem_size_0:
called_computation_lowered:
.L_overlay_start_0:
0x88: {  	s2 =	sld [smem:$0x3FD9]  }
0x89: {  	s3 =	sld [smem:$0x3FFE];
	_ =	sdelay $0x1  }
0x8a: {  	s1 =	srdreg.scid  }
0x8b: {  	s0 =	sand.u32 $0x1, s1  }
0x8c: {  	s17 =	sshll.u32 s0, $0xA;
	s2 =	sadd.s32 s3, s2  }
0x8d: {  	s2 =	sadd.s32 s2, s17  }
0x8e: {  	[smem:$0x3FC4] =	sst s2  }
0x8f: {  	_ = 	snop  }
0x90: {  	s2 =	sld [smem:$0x3FD0];
	(tm) =	ssettm $0x1  }
0x91: {  	s18 =	sld [smem:$0x3FFB];
	_ =	sdelay $0x3  }
0x92: {  	_ =	strace s18  }
0x93: {  	s3 =	sld [smem:$0x3FFC];
	_ =	sdelay $0x3  }
0x94: {  	_ =	strace s3  }
0x95: {  	s3 =	sld [smem:$0x3FFD];
	_ =	sdelay $0x3  }
0x96: {  	_ =	strace s3  }
0x97: {  	_ =	strace $0x8FFFFFFF  }
0x98: {  	s19 =	sld [smem:$0x3FDB];
	_ =	sdelay $0x1  }
0x99: {  	s4 =	simm.s32 $_scs_section_size  }
0x9a: {  	s5 =	simm.s32 $_size__tile_overlayer_lowered;
	s6 =	simm.s32 $_tile_overlayer_lowered  }
0x9b: {  	s22 =	simm.s32 $0x1BFF;
	s21 =	sshll.u32 s6, $0x1;
	s3 =	sadd.s32 s4, s19  }
0x9c: {  	s7 =	simm.s32 $0x0;
	s20 =	sshll.u32 s5, $0x1;
	s5 =	sadd.s32 s21, s3  }
0x9d: {  	[timem:s7], [sflag:s22] =	dma.local [hbm:s5], s20  }
0x9e: {  	_ =	swait.ge [sflag:s22], s20  }
0x9f: {  	s4 =	ssub.s32 $0x0, s20;
	[sflag:s22] =	ssyncset.done $0x0  }
0xa0: {  	[sflag:s22] =	ssyncadd.s32 s4;
	_ =	sdelay $0x1  }
0xa1: {  	s23 =	simm.s32 $0x1B8B  }
0xa2: {  	_ =	swait.ge [sflag:s23], $0x1  }
0xa3: {  	[sflag:s23] =	ssyncset.done $0x0  }
0xa4: {  	s25 =	simm.s32 $0x1B8E;
	s24 =	sld [smem:$0x3FFE];
	[sflag:s23] =	ssyncadd.s32 $0xFFFFFFFF  }
0xa5: {  	s26 =	simm.s32 $execute0_lowered;
	[smem:$0x3FD2] =	sst s25  }
0xa6: {  	s5 =	sshll.u32 s26, $0x1;
	_ =	strace $0x80000046;
	[dreg:$0x1] =	wrdreg $0xFFFFFFFF  }
0xa7: {  	s28 =	simm.s32 $_size_execute0_lowered;
	s3 =	sadd.s32 s3, s5;
	[dreg:$0x0] =	wrdreg $0x0  }
0xa8: {  	s5 =	sshll.u32 s28, $0x1;
	[dreg:$0x2] =	wrdreg s3  }
0xa9: {  	[dreg:$0x3] =	wrdreg s5  }
0xaa: {  	[dreg:$0x4] =	wrdreg $0xC0  }
0xab: {  	_ =	task [dreg:s7], $0x5FFFF  }
0xac: {  	[dreg:$0x1] =	wrdreg $0xFFFFFFFF  }
0xad: {  	[dreg:$0x0] =	wrdreg $0x60  }
0xae: {  	[dreg:$0x2] =	wrdreg s24  }
0xaf: {  	[dreg:$0x3] =	wrdreg s2  }
0xb0: {  	[dreg:$0x4] =	wrdreg $0x9  }
0xb1: {  	_ =	task.clear_ibuf [dreg:s7], $0x5FFFF;
	_ =	strace $0x90000046  }
0xb2: {  	s29 =	simm.s32 $0x9;
	_ =	strace $0x80000048  }
0xb3: {  	_ =	swait.ge [sflag:s29], $0x1  }
0xb4: {  	[sflag:s29] =	ssyncadd.s32 $0xFFFFFFFF  }
0xb5: {  	_ =	strace $0x90000048  }
0xb6: {  	_ =	sfence  }
0xb7: {  	s30 =	sld [smem:$0x0];
	_ =	sdelay $0x2  }
0xb8: {  	s31 =	sshll.u32 s1, $0xD;
	s1 =	sshrl.u32 s1, $0x2  }
0xb9: {  	s3 =	sand.u32 $0x4000, s31;
	s1 =	sadd.s32 s1, s30  }
0xba: {  	s0 =	sor.u32 s3, s0;
	s1 =	sshll.u32 s1, $0x11  }
0xbb: {  	s0 =	sor.u32 s1, s0  }
0xbc: {  	s0 =	sadd.s32 $0x8F2B, s0  }
0xbd: {  	[sflag:s0] =	ssyncadd.remote.s32 $0x1  }
0xbe: {  	_ =	sfence.sel $0xFFFF  }
0xbf: {  	[dreg:$0x0] =	wrdreg $0xFFFFFFFF;
	(pc) =	sbr.abs _section_cstart, $3  }
0xc0: {  	[dreg:$0x1] =	wrdreg $0xFFFFFFFF  }
0xc1: {  	_ =	task.clear_ibuf [dreg:s7], $0x2FFFF;
	_ =	strace $0x9FFFFFFF  }
0xc2: {  	(tm) =	ssettm $0x7FFFFFFF  }
0xc3: {  	_ =	shalt  }
tec
execute0_lowered:
.L_overlay_start_1:
0x0: {  	(tag) =	ssettag $0x1  }
0x1: {  	s0 =	srdreg.scid;
	s3 =	rddreg [dreg:$0x0]  }
0x2: {  	s5 =	rddreg [dreg:$0x1];
	s1 =	stileid.u32;
	s4 =	sand.u32 $0x1, s0  }
0x3: {  	s9 =	simm.s32 $0x400;
	s0 =	rddreg [dreg:$0x2];
	s2 =	sshll.u32 s4, $0x4  }
0x4: {  	s8 =	sshll.u32 s1, $0x7;
	s4 =	ssub.s32 $0x2, s4;
	s6 =	sor.u32 s1, s2  }
0x5: {  	s2 =	simm.s32 $0x0;
	s7 =	smul.u32 $0x500, s6;
	s6 =	sshrl.u32 s6, $0x3  }
0x6: {  	s8 =	sand.u32 $0x380, s8;
	[smem:$0x7FF] =	sst s2;
	s6 =	smul.u32 $0x13C00, s6  }
0x7: {  	s30 =	sshrl.u32 s4, $0x1;
	_ =	strace $0x80000047;
	s3 =	sadd.s32 s7, s3  }
0x8: {  	s7 =	ssub.s32 s4, s30;
	s6 =	sor.u32 s8, s6;
	s3 =	sadd.s32 $0x1600, s3  }
0x9: {  	s8 =	simm.s32 $0x80;
	s31 =	sshrl.u32 s6, $0x3;
	s6 =	simm.s32 $0x1  }
0xa: {  	v0 =	vimm.f32 $0.0e+00;
	v1 =	vimm.f32 $1.000000000e+00;
	s4 =	sadd.s32 s5, s31;
	s5 =	smax.u32 s7, $0x1;
	s7 =	simm.s32 $0x2800  }
.LBB2_1:
0xb: {  	s10 =	simm.s32 $0x40;
	s11 =	simm.s32 $0x0  }
.LBB2_2:
0xc: {  	p0 =	sne.s32 s10, $0x9DC0;
	[tilespmem:s11+$0x2800] =	vst v0;
	s11 =	smov.u32 s10;
	s10 =	sadd.s32 $0x40, s10  }
.Ltmp0:
0xd: {  	(pc) =	sbr.rel @p0 .LBB2_2-.Ltmp0, $2  }
0xe: {  	_ =	sdelay $0x2  }
0xf: {  	s11 =	sshra.s32 s11, $0x2  }
0x10: {  	[tilespmem:s11+$0x2800] =	vst v0;
	s10 =	simm.s32 $0x0  }
0x11: {  	[tilespmem:s10], [sflag:$0x1] =	stream.linear.gather [hbm4b:s3+s10], $0x2780, $0x38;
	[tilespmem:$0x4F80] =	vst v63  }
0x12: {  	_ =	swait.ge [sflag:s6], $0x2780  }
0x13: {  	[sflag:s6] =	ssyncset.done $0x0  }
0x14: {  	[sflag:s6] =	ssyncadd.s32 $0xFFFFD880  }
.LBB2_4:
0x15: {  	s11 =	sshra.s32 s10, $0x2  }
0x16: {  	v2 =	vld [tilespmem:s11+$0x0];
	_ =	sdelay $0x7  }
0x17: {  	[tilespmem:v2+s7+$0x0] =	vst.idx.add.f32.msk $0xffff, v1  }
0x18: {  	v2 =	vld [tilespmem:s11+$0x10];
	_ =	sdelay $0x7  }
0x19: {  	[tilespmem:v2+s7+$0x0] =	vst.idx.add.f32.msk $0xffff, v1  }
0x1a: {  	v2 =	vld [tilespmem:s11+$0x20];
	_ =	sdelay $0x7  }
0x1b: {  	[tilespmem:v2+s7+$0x0] =	vst.idx.add.f32.msk $0xffff, v1  }
0x1c: {  	v2 =	vld [tilespmem:s11+$0x30];
	_ =	sdelay $0x7  }
0x1d: {  	[tilespmem:v2+s7+$0x0] =	vst.idx.add.f32.msk $0xffff, v1  }
0x1e: {  	v2 =	vld [tilespmem:s11+$0x40];
	_ =	sdelay $0x7  }
0x1f: {  	[tilespmem:v2+s7+$0x0] =	vst.idx.add.f32.msk $0xffff, v1  }
0x20: {  	v2 =	vld [tilespmem:s11+$0x50];
	_ =	sdelay $0x7  }
0x21: {  	[tilespmem:v2+s7+$0x0] =	vst.idx.add.f32.msk $0xffff, v1  }
0x22: {  	v2 =	vld [tilespmem:s11+$0x60];
	_ =	sdelay $0x7  }
0x23: {  	[tilespmem:v2+s7+$0x0] =	vst.idx.add.f32.msk $0xffff, v1  }
0x24: {  	v2 =	vld [tilespmem:s11+$0x70];
	_ =	sdelay $0x2  }
0x25: {  	p0 =	sne.s32 s10, $0x9C00  }
.Ltmp1:
0x26: {  	_ = 	snop;
	(pc) =	sbr.rel @p0 .LBB2_4-.Ltmp1, $2  }
0x27: {  	_ =	sdelay $0x2  }
0x28: {  	s10 =	sadd.s32 $0x200, s10;
	[tilespmem:v2+s7+$0x0] =	vst.idx.add.f32.msk $0xffff, v1  }
0x29: {  	s2 =	sadd.s32 $0x1, s2  }
0x2a: {  	p0 =	sne.s32 s2, s5  }
.Ltmp2:
0x2b: {  	_ = 	snop;
	(pc) =	sbr.rel @p0 .LBB2_1-.Ltmp2, $4  }
0x2c: {  	[hbm4b:s4+s8] =	stream.strided.scatter [tilespmem:s7], [sflag:$0x1], $0x2780, s9, s8, $0x38;
	[tilespmem:$0x4F80] =	vst v63  }
0x2d: {  	_ =	swait.ge [sflag:s6], $0x2780  }
0x2e: {  	[sflag:s6] =	ssyncset.done $0x0  }
0x2f: {  	[sflag:s6] =	ssyncadd.s32 $0xFFFFD880  }
0x30: {  	_ =	sfence.sel $0x180000  }
0x31: {  	[bflag:$0x0] =	sbarrier.arrive $0xFFFF  }
0x32: {  	p0 =	sne.s32 s1, $0x0;
	_ =	strace $0x90000047  }
0x33: {  	s0 =	sadd.s32 @!p0 $0x100000, s0;
	[bflag:$0x2] =	sbarrier.arrive $0xFFFF  }
0x34: {  	[sflag:s0] =	ssyncadd.tile.s32 @!p0 $0x1;
	_ =	shalt  }
.Lfunc_end2:
_tile_overlayer_lowered:
.L_overlay_start_2:
0x35: {  	(tag) =	ssettag $0x2  }
0x36: {  	s0 =	rddreg [dreg:$0x0];
	s2 =	stileid.u32  }
0x37: {  	s1 =	rddreg [dreg:$0x1];
	p0 =	sne.s32 s2, $0x0  }
0x38: {  	s3 =	rddreg [dreg:$0x2];
	[bflag:$0x3] =	sbarrier.arrive $0xFFFF;
	s2 =	simm.s32 @!p0 $0x1C01  }
0x39: {  	[timem:s3], [sflag:s2] =	dma.local @!p0 [hbm:s0], s1  }
0x3a: {  	s0 =	simm.s32 @!p0 $0x1  }
0x3b: {  	_ =	swait.ge @!p0 [sflag:s0], s1  }
0x3c: {  	s1 =	ssub.s32 @!p0 $0x0, s1;
	[sflag:s0] =	ssyncset.done @!p0 $0x0  }
0x3d: {  	[sflag:s0] =	ssyncadd.s32 @!p0 s1  }
0x3e: {  	[bflag:$0x3] =	sbarrier.arrive $0xFFFF  }
0x3f: {  	_ =	shalt  }

</sc_bundles>
